<compile_context>
chip_gen: v7x
topology: tpu7x:2x2x1
jax: 0.10.2.dev20260603
libtpu: 0.0.44.dev20260713+nightly
codegen_flags: <defaults>
</compile_context>

<pallas_src>
import functools

import jax
import jax.numpy as jnp
from jax import lax
from jax.experimental import pallas as pl
from jax.experimental.pallas import tpu as pltpu
from jax.experimental.pallas import tpu_sc as plsc

_D = 32
_BATCH = 4096
_HIST = 200
_B = _BATCH * _HIST

_info = plsc.get_sparse_core_info()
_NC, _NS = _info.num_cores, _info.num_subcores
_NW = _NC * _NS
_BPW = _BATCH // _NW
_IPW = _BPW * _HIST
_HBLK = 2
_NBLK = _HIST // _HBLK
_ROWS = _HBLK * _BPW
_PT = _HBLK * 4 * 8 * 128

_mesh = plsc.VectorSubcoreMesh(core_axis_name="c", subcore_axis_name="s")


@functools.partial(
    pl.kernel,
    mesh=_mesh,
    out_type=jax.ShapeDtypeStruct((_HIST * 4 * _NW * 8 * 128,), jnp.float32),
    scratch_types=[
        pltpu.VMEM((_IPW,), jnp.int32),
        [pltpu.VMEM((_ROWS,), jnp.int32) for _ in range(2)],
        [pltpu.VMEM((_ROWS, _D), jnp.float32) for _ in range(2)],
        [pltpu.VMEM((_PT,), jnp.float32) for _ in range(2)],
        [pltpu.SemaphoreType.DMA for _ in range(2)],
        [pltpu.SemaphoreType.DMA for _ in range(2)],
    ],
    compiler_params=pltpu.CompilerParams(
        use_tc_tiling_on_sc=False,
        needs_layout_passes=False,
        disable_bounds_checks=True,
    ),
)
def _embed(idx_hbm, table_hbm, out_hbm, idx_v, hidx, rows, ptile, gsems, ssems):
    wid = lax.axis_index("s") * _NC + lax.axis_index("c")

    pltpu.sync_copy(idx_hbm.at[pl.ds(wid * _IPW, _IPW)], idx_v)

    iota = lax.iota(jnp.int32, 16)
    base200 = [iota * _HIST + 16 * _HIST * k for k in range(8)]
    iota128 = iota * 128

    def build_hidx(i, u):
        h0 = i * _HBLK
        for hh in range(_HBLK):
            for k in range(8):
                v = plsc.load_gather(idx_v, [base200[k] + (h0 + hh)])
                hidx[u][pl.ds(hh * _BPW + k * 16, 16)] = v

    def start_gather(u):
        pltpu.async_copy(table_hbm.at[hidx[u]], rows[u], gsems[u])

    def wait_gather(u):
        pltpu.make_async_copy(table_hbm.at[hidx[u]], rows[u], gsems[u]).wait()

    def store_pairs(i, u):
        res = []
        for hh in range(_HBLK):
            for r in range(4):
                src = ptile[u].at[pl.ds(hh * 4096 + r * 1024, 1024)]
                off = ((((i * _HBLK + hh) * 4 + r) * _NW) + wid) * 1024
                res.append((src, out_hbm.at[pl.ds(off, 1024)]))
        return res

    def start_store(i, u):
        for src, dst in store_pairs(i, u):
            pltpu.async_copy(src, dst, ssems[u])

    def wait_store(i, u):
        for src, dst in store_pairs(i, u):
            pltpu.make_async_copy(src, dst, ssems[u]).wait()

    def transpose(u):
        for hh in range(_HBLK):

            @plsc.parallel_loop(0, _D * (_BPW // 16), unroll=8)
            def _(g, u=u, hh=hh):
                d0 = g & 31
                l0 = (g >> 5) << 4
                m = (iota + d0) & 31
                rowv = iota + (hh * _BPW + l0)
                val = plsc.load_gather(rows[u], [rowv, m])
                dst = (m << 7) + rowv + (hh * (4096 - _BPW))
                plsc.store_scatter(ptile[u], [dst], val)

    build_hidx(0, 0)
    start_gather(0)

    def outer(t, carry):
        for u in range(2):
            i = t * 2 + u

            if u == 0:
                build_hidx(i + 1, 1)
                start_gather(1)
            else:

                @pl.when(t < _NBLK // 2 - 1)
                def _():
                    build_hidx(i + 1, 0)
                    start_gather(0)

            wait_gather(u)

            @pl.when(t >= 1)
            def _():
                wait_store(i - 2, u)

            transpose(u)
            start_store(i, u)
        return carry

    lax.fori_loop(0, _NBLK // 2, outer, 0)

    wait_store(_NBLK - 2, 0)
    wait_store(_NBLK - 1, 1)


def kernel(seq, table):
    flat = seq.reshape(-1)
    p = _embed(flat, table)
    p5 = p.reshape(_HIST, 4, _NW, 8, 128)
    return p5.transpose(2, 4, 0, 1, 3).reshape(_BATCH, _HIST, _D)

# --- scband reference (transcript-rebuilt; emitter-appended) ---
"""Pipeline reference for scband-embedder-55396488184605 (READ-ONLY COPY).

The authoritative reference and input builder live on the scoring server;
editing this copy changes nothing except your own understanding.
"""

import jax, jax.numpy as jnp
import numpy as np

VOCAB = 1000000
EMBED_DIM = 32
BATCH = 4096
HIST = 200

def setup_inputs(seed: int = 0) -> dict:
    key = jax.random.key(seed)
    k_seq, k_tbl = jax.random.split(key)
    seq = jax.random.randint(k_seq, (BATCH, HIST), 0, VOCAB, dtype=jnp.int64 if jax.config.jax_enable_x64 else jnp.int32)
    table = jax.random.normal(k_tbl, (VOCAB, EMBED_DIM), dtype=jnp.float32)
    return {"seq": seq, "table": table}

def reference(seq, table):
    # nn.Embedding forward: gather rows of the table by index
    return jnp.take(table, seq, axis=0)

if __name__ == "__main__":
    import jax
    _d = setup_inputs()
    print(jax.jit(kernel)(*tuple(_d.values())))

</pallas_src>

<mosaic_0001>
#map = affine_map<(d0, d1) -> (0)>
#map1 = affine_map<(d0, d1) -> (0, 0)>
module attributes {stable_mosaic.version = 14 : i64} {
  func.func @_embed(%arg0: i32, %arg1: i32, %arg2: memref<819200xi32, #tpu.memory_space<hbm>>, %arg3: memref<1000000x32xf32, #tpu.memory_space<hbm>>, %arg4: memref<26214400xf32, #tpu.memory_space<hbm>>, %arg5: memref<25600xi32, #tpu.memory_space<vmem>>, %arg6: memref<256xi32, #tpu.memory_space<vmem>>, %arg7: memref<256xi32, #tpu.memory_space<vmem>>, %arg8: memref<256x32xf32, #tpu.memory_space<vmem>>, %arg9: memref<256x32xf32, #tpu.memory_space<vmem>>, %arg10: memref<8192xf32, #tpu.memory_space<vmem>>, %arg11: memref<8192xf32, #tpu.memory_space<vmem>>, %arg12: memref<!tpu.dma_semaphore, #tpu.memory_space<semaphore_mem>>, %arg13: memref<!tpu.dma_semaphore, #tpu.memory_space<semaphore_mem>>, %arg14: memref<!tpu.dma_semaphore, #tpu.memory_space<semaphore_mem>>, %arg15: memref<!tpu.dma_semaphore, #tpu.memory_space<semaphore_mem>>) attributes {dimension_semantics = [#tpu.dimension_semantics<core_parallel>, #tpu.dimension_semantics<subcore_parallel>], iteration_bounds = array<i64: 2, 16>, scalar_prefetch = 0 : i64, scratch_operands = 11 : i64, tpu.core_type = #tpu.core_type<sc_vector_subcore>, window_params = [{transform_indices = #map}, {transform_indices = #map1}, {transform_indices = #map}]} {
    %mul3A = arith.constant 2 : i32
    %mul3A_0 = arith.muli %arg1, %mul3A : i32
    %add3A = arith.addi %mul3A_0, %arg0 : i32
    %mul3A_1 = arith.constant 25600 : i32
    %mul3A_2 = arith.muli %add3A, %mul3A_1 : i32
    "tpu.region"() ({
      %run_scoped3A = tpu.sem_alloc : memref<!tpu.dma_semaphore, #tpu.memory_space<semaphore_mem>>
      %dma_start3A_314 = tpu.memref_slice %arg2[%mul3A_2] : memref<819200xi32, #tpu.memory_space<hbm>> -> memref<25600xi32, #tpu.memory_space<hbm>>
      %dma_start3A_315 = tpu.memref_slice %arg2[%mul3A_2] : memref<819200xi32, #tpu.memory_space<hbm>> -> memref<25600xi32, #tpu.memory_space<hbm>>
      tpu.enqueue_dma source(%dma_start3A_315 : memref<25600xi32, #tpu.memory_space<hbm>>) target(%arg5 : memref<25600xi32, #tpu.memory_space<vmem>>) target_semaphore(%run_scoped3A : memref<!tpu.dma_semaphore, #tpu.memory_space<semaphore_mem>>)
      %dma_wait3A_316 = tpu.memref_slice %arg2[%mul3A_2] : memref<819200xi32, #tpu.memory_space<hbm>> -> memref<25600xi32, #tpu.memory_space<hbm>>
      %dma_wait3A_317 = tpu.memref_slice %arg2[%mul3A_2] : memref<819200xi32, #tpu.memory_space<hbm>> -> memref<25600xi32, #tpu.memory_space<hbm>>
      tpu.wait_dma2 semaphore(%run_scoped3A : memref<!tpu.dma_semaphore, #tpu.memory_space<semaphore_mem>>) src(%dma_wait3A_317 : memref<25600xi32, #tpu.memory_space<hbm>>) dst(%arg5 : memref<25600xi32, #tpu.memory_space<vmem>>)
      tpu.yield
    }) : () -> ()
    %iota3A = tpu.iota {dimensions = array<i32: 0>} : vector<16xi32>
    %mul3A_3 = arith.constant 200 : i32
    %mul3A_4 = vector.broadcast %mul3A_3 : i32 to vector<16xi32>
    %mul3A_5 = arith.muli %iota3A, %mul3A_4 : vector<16xi32>
    %add3A_6 = arith.constant 0 : i32
    %add3A_7 = vector.broadcast %add3A_6 : i32 to vector<16xi32>
    %add3A_8 = arith.addi %mul3A_5, %add3A_7 : vector<16xi32>
    %mul3A_9 = arith.constant 200 : i32
    %mul3A_10 = vector.broadcast %mul3A_9 : i32 to vector<16xi32>
    %mul3A_11 = arith.muli %iota3A, %mul3A_10 : vector<16xi32>
    %add3A_12 = arith.constant 3200 : i32
    %add3A_13 = vector.broadcast %add3A_12 : i32 to vector<16xi32>
    %add3A_14 = arith.addi %mul3A_11, %add3A_13 : vector<16xi32>
    %mul3A_15 = arith.constant 200 : i32
    %mul3A_16 = vector.broadcast %mul3A_15 : i32 to vector<16xi32>
    %mul3A_17 = arith.muli %iota3A, %mul3A_16 : vector<16xi32>
    %add3A_18 = arith.constant 6400 : i32
    %add3A_19 = vector.broadcast %add3A_18 : i32 to vector<16xi32>
    %add3A_20 = arith.addi %mul3A_17, %add3A_19 : vector<16xi32>
    %mul3A_21 = arith.constant 200 : i32
    %mul3A_22 = vector.broadcast %mul3A_21 : i32 to vector<16xi32>
    %mul3A_23 = arith.muli %iota3A, %mul3A_22 : vector<16xi32>
    %add3A_24 = arith.constant 9600 : i32
    %add3A_25 = vector.broadcast %add3A_24 : i32 to vector<16xi32>
    %add3A_26 = arith.addi %mul3A_23, %add3A_25 : vector<16xi32>
    %mul3A_27 = arith.constant 200 : i32
    %mul3A_28 = vector.broadcast %mul3A_27 : i32 to vector<16xi32>
    %mul3A_29 = arith.muli %iota3A, %mul3A_28 : vector<16xi32>
    %add3A_30 = arith.constant 12800 : i32
    %add3A_31 = vector.broadcast %add3A_30 : i32 to vector<16xi32>
    %add3A_32 = arith.addi %mul3A_29, %add3A_31 : vector<16xi32>
    %mul3A_33 = arith.constant 200 : i32
    %mul3A_34 = vector.broadcast %mul3A_33 : i32 to vector<16xi32>
    %mul3A_35 = arith.muli %iota3A, %mul3A_34 : vector<16xi32>
    %add3A_36 = arith.constant 16000 : i32
    %add3A_37 = vector.broadcast %add3A_36 : i32 to vector<16xi32>
    %add3A_38 = arith.addi %mul3A_35, %add3A_37 : vector<16xi32>
    %mul3A_39 = arith.constant 200 : i32
    %mul3A_40 = vector.broadcast %mul3A_39 : i32 to vector<16xi32>
    %mul3A_41 = arith.muli %iota3A, %mul3A_40 : vector<16xi32>
    %add3A_42 = arith.constant 19200 : i32
    %add3A_43 = vector.broadcast %add3A_42 : i32 to vector<16xi32>
    %add3A_44 = arith.addi %mul3A_41, %add3A_43 : vector<16xi32>
    %mul3A_45 = arith.constant 200 : i32
    %mul3A_46 = vector.broadcast %mul3A_45 : i32 to vector<16xi32>
    %mul3A_47 = arith.muli %iota3A, %mul3A_46 : vector<16xi32>
    %add3A_48 = arith.constant 22400 : i32
    %add3A_49 = vector.broadcast %add3A_48 : i32 to vector<16xi32>
    %add3A_50 = arith.addi %mul3A_47, %add3A_49 : vector<16xi32>
    %mul3A_51 = arith.constant 128 : i32
    %mul3A_52 = vector.broadcast %mul3A_51 : i32 to vector<16xi32>
    %mul3A_53 = arith.muli %iota3A, %mul3A_52 : vector<16xi32>
    %add3A_54 = arith.constant 0 : i32
    %add3A_55 = vector.broadcast %add3A_54 : i32 to vector<16xi32>
    %add3A_56 = arith.addi %add3A_8, %add3A_55 : vector<16xi32>
    %gather3A = tpu.vector_load_idx %arg5[%add3A_56] : memref<25600xi32, #tpu.memory_space<vmem>>[vector<16xi32>], vector<16xi32>,
    %swap3A = arith.constant 0 : index
    %swap3A_57 = tpu.vector_load %arg6[%swap3A] {strides = array<i32>} : memref<256xi32, #tpu.memory_space<vmem>>, vector<16xi32>,
    tpu.vector_store %arg6[%swap3A], %gather3A {strides = array<i32>} : memref<256xi32, #tpu.memory_space<vmem>>, vector<16xi32>,
    %add3A_58 = arith.constant 0 : i32
    %add3A_59 = vector.broadcast %add3A_58 : i32 to vector<16xi32>
    %add3A_60 = arith.addi %add3A_14, %add3A_59 : vector<16xi32>
    %gather3A_61 = tpu.vector_load_idx %arg5[%add3A_60] : memref<25600xi32, #tpu.memory_space<vmem>>[vector<16xi32>], vector<16xi32>,
    %swap3A_62 = arith.constant 16 : index
    %swap3A_63 = tpu.vector_load %arg6[%swap3A_62] {strides = array<i32>} : memref<256xi32, #tpu.memory_space<vmem>>, vector<16xi32>,
    tpu.vector_store %arg6[%swap3A_62], %gather3A_61 {strides = array<i32>} : memref<256xi32, #tpu.memory_space<vmem>>, vector<16xi32>,
    %add3A_64 = arith.constant 0 : i32
    %add3A_65 = vector.broadcast %add3A_64 : i32 to vector<16xi32>
    %add3A_66 = arith.addi %add3A_20, %add3A_65 : vector<16xi32>
    %gather3A_67 = tpu.vector_load_idx %arg5[%add3A_66] : memref<25600xi32, #tpu.memory_space<vmem>>[vector<16xi32>], vector<16xi32>,
    %swap3A_68 = arith.constant 32 : index
    %swap3A_69 = tpu.vector_load %arg6[%swap3A_68] {strides = array<i32>} : memref<256xi32, #tpu.memory_space<vmem>>, vector<16xi32>,
    tpu.vector_store %arg6[%swap3A_68], %gather3A_67 {strides = array<i32>} : memref<256xi32, #tpu.memory_space<vmem>>, vector<16xi32>,
    %add3A_70 = arith.constant 0 : i32
    %add3A_71 = vector.broadcast %add3A_70 : i32 to vector<16xi32>
    %add3A_72 = arith.addi %add3A_26, %add3A_71 : vector<16xi32>
    %gather3A_73 = tpu.vector_load_idx %arg5[%add3A_72] : memref<25600xi32, #tpu.memory_space<vmem>>[vector<16xi32>], vector<16xi32>,
    %swap3A_74 = arith.constant 48 : index
    %swap3A_75 = tpu.vector_load %arg6[%swap3A_74] {strides = array<i32>} : memref<256xi32, #tpu.memory_space<vmem>>, vector<16xi32>,
    tpu.vector_store %arg6[%swap3A_74], %gather3A_73 {strides = array<i32>} : memref<256xi32, #tpu.memory_space<vmem>>, vector<16xi32>,
    %add3A_76 = arith.constant 0 : i32
    %add3A_77 = vector.broadcast %add3A_76 : i32 to vector<16xi32>
    %add3A_78 = arith.addi %add3A_32, %add3A_77 : vector<16xi32>
    %gather3A_79 = tpu.vector_load_idx %arg5[%add3A_78] : memref<25600xi32, #tpu.memory_space<vmem>>[vector<16xi32>], vector<16xi32>,
    %swap3A_80 = arith.constant 64 : index
    %swap3A_81 = tpu.vector_load %arg6[%swap3A_80] {strides = array<i32>} : memref<256xi32, #tpu.memory_space<vmem>>, vector<16xi32>,
    tpu.vector_store %arg6[%swap3A_80], %gather3A_79 {strides = array<i32>} : memref<256xi32, #tpu.memory_space<vmem>>, vector<16xi32>,
    %add3A_82 = arith.constant 0 : i32
    %add3A_83 = vector.broadcast %add3A_82 : i32 to vector<16xi32>
    %add3A_84 = arith.addi %add3A_38, %add3A_83 : vector<16xi32>
    %gather3A_85 = tpu.vector_load_idx %arg5[%add3A_84] : memref<25600xi32, #tpu.memory_space<vmem>>[vector<16xi32>], vector<16xi32>,
    %swap3A_86 = arith.constant 80 : index
    %swap3A_87 = tpu.vector_load %arg6[%swap3A_86] {strides = array<i32>} : memref<256xi32, #tpu.memory_space<vmem>>, vector<16xi32>,
    tpu.vector_store %arg6[%swap3A_86], %gather3A_85 {strides = array<i32>} : memref<256xi32, #tpu.memory_space<vmem>>, vector<16xi32>,
    %add3A_88 = arith.constant 0 : i32
    %add3A_89 = vector.broadcast %add3A_88 : i32 to vector<16xi32>
    %add3A_90 = arith.addi %add3A_44, %add3A_89 : vector<16xi32>
    %gather3A_91 = tpu.vector_load_idx %arg5[%add3A_90] : memref<25600xi32, #tpu.memory_space<vmem>>[vector<16xi32>], vector<16xi32>,
    %swap3A_92 = arith.constant 96 : index
    %swap3A_93 = tpu.vector_load %arg6[%swap3A_92] {strides = array<i32>} : memref<256xi32, #tpu.memory_space<vmem>>, vector<16xi32>,
    tpu.vector_store %arg6[%swap3A_92], %gather3A_91 {strides = array<i32>} : memref<256xi32, #tpu.memory_space<vmem>>, vector<16xi32>,
    %add3A_94 = arith.constant 0 : i32
    %add3A_95 = vector.broadcast %add3A_94 : i32 to vector<16xi32>
    %add3A_96 = arith.addi %add3A_50, %add3A_95 : vector<16xi32>
    %gather3A_97 = tpu.vector_load_idx %arg5[%add3A_96] : memref<25600xi32, #tpu.memory_space<vmem>>[vector<16xi32>], vector<16xi32>,
    %swap3A_98 = arith.constant 112 : index
    %swap3A_99 = tpu.vector_load %arg6[%swap3A_98] {strides = array<i32>} : memref<256xi32, #tpu.memory_space<vmem>>, vector<16xi32>,
    tpu.vector_store %arg6[%swap3A_98], %gather3A_97 {strides = array<i32>} : memref<256xi32, #tpu.memory_space<vmem>>, vector<16xi32>,
    %add3A_100 = arith.constant 1 : i32
    %add3A_101 = vector.broadcast %add3A_100 : i32 to vector<16xi32>
    %add3A_102 = arith.addi %add3A_8, %add3A_101 : vector<16xi32>
    %gather3A_103 = tpu.vector_load_idx %arg5[%add3A_102] : memref<25600xi32, #tpu.memory_space<vmem>>[vector<16xi32>], vector<16xi32>,
    %swap3A_104 = arith.constant 128 : index
    %swap3A_105 = tpu.vector_load %arg6[%swap3A_104] {strides = array<i32>} : memref<256xi32, #tpu.memory_space<vmem>>, vector<16xi32>,
    tpu.vector_store %arg6[%swap3A_104], %gather3A_103 {strides = array<i32>} : memref<256xi32, #tpu.memory_space<vmem>>, vector<16xi32>,
    %add3A_106 = arith.constant 1 : i32
    %add3A_107 = vector.broadcast %add3A_106 : i32 to vector<16xi32>
    %add3A_108 = arith.addi %add3A_14, %add3A_107 : vector<16xi32>
    %gather3A_109 = tpu.vector_load_idx %arg5[%add3A_108] : memref<25600xi32, #tpu.memory_space<vmem>>[vector<16xi32>], vector<16xi32>,
    %swap3A_110 = arith.constant 144 : index
    %swap3A_111 = tpu.vector_load %arg6[%swap3A_110] {strides = array<i32>} : memref<256xi32, #tpu.memory_space<vmem>>, vector<16xi32>,
    tpu.vector_store %arg6[%swap3A_110], %gather3A_109 {strides = array<i32>} : memref<256xi32, #tpu.memory_space<vmem>>, vector<16xi32>,
    %add3A_112 = arith.constant 1 : i32
    %add3A_113 = vector.broadcast %add3A_112 : i32 to vector<16xi32>
    %add3A_114 = arith.addi %add3A_20, %add3A_113 : vector<16xi32>
    %gather3A_115 = tpu.vector_load_idx %arg5[%add3A_114] : memref<25600xi32, #tpu.memory_space<vmem>>[vector<16xi32>], vector<16xi32>,
    %swap3A_116 = arith.constant 160 : index
    %swap3A_117 = tpu.vector_load %arg6[%swap3A_116] {strides = array<i32>} : memref<256xi32, #tpu.memory_space<vmem>>, vector<16xi32>,
    tpu.vector_store %arg6[%swap3A_116], %gather3A_115 {strides = array<i32>} : memref<256xi32, #tpu.memory_space<vmem>>, vector<16xi32>,
    %add3A_118 = arith.constant 1 : i32
    %add3A_119 = vector.broadcast %add3A_118 : i32 to vector<16xi32>
    %add3A_120 = arith.addi %add3A_26, %add3A_119 : vector<16xi32>
    %gather3A_121 = tpu.vector_load_idx %arg5[%add3A_120] : memref<25600xi32, #tpu.memory_space<vmem>>[vector<16xi32>], vector<16xi32>,
    %swap3A_122 = arith.constant 176 : index
    %swap3A_123 = tpu.vector_load %arg6[%swap3A_122] {strides = array<i32>} : memref<256xi32, #tpu.memory_space<vmem>>, vector<16xi32>,
    tpu.vector_store %arg6[%swap3A_122], %gather3A_121 {strides = array<i32>} : memref<256xi32, #tpu.memory_space<vmem>>, vector<16xi32>,
    %add3A_124 = arith.constant 1 : i32
    %add3A_125 = vector.broadcast %add3A_124 : i32 to vector<16xi32>
    %add3A_126 = arith.addi %add3A_32, %add3A_125 : vector<16xi32>
    %gather3A_127 = tpu.vector_load_idx %arg5[%add3A_126] : memref<25600xi32, #tpu.memory_space<vmem>>[vector<16xi32>], vector<16xi32>,
    %swap3A_128 = arith.constant 192 : index
    %swap3A_129 = tpu.vector_load %arg6[%swap3A_128] {strides = array<i32>} : memref<256xi32, #tpu.memory_space<vmem>>, vector<16xi32>,
    tpu.vector_store %arg6[%swap3A_128], %gather3A_127 {strides = array<i32>} : memref<256xi32, #tpu.memory_space<vmem>>, vector<16xi32>,
    %add3A_130 = arith.constant 1 : i32
    %add3A_131 = vector.broadcast %add3A_130 : i32 to vector<16xi32>
    %add3A_132 = arith.addi %add3A_38, %add3A_131 : vector<16xi32>
    %gather3A_133 = tpu.vector_load_idx %arg5[%add3A_132] : memref<25600xi32, #tpu.memory_space<vmem>>[vector<16xi32>], vector<16xi32>,
    %swap3A_134 = arith.constant 208 : index
    %swap3A_135 = tpu.vector_load %arg6[%swap3A_134] {strides = array<i32>} : memref<256xi32, #tpu.memory_space<vmem>>, vector<16xi32>,
    tpu.vector_store %arg6[%swap3A_134], %gather3A_133 {strides = array<i32>} : memref<256xi32, #tpu.memory_space<vmem>>, vector<16xi32>,
    %add3A_136 = arith.constant 1 : i32
    %add3A_137 = vector.broadcast %add3A_136 : i32 to vector<16xi32>
    %add3A_138 = arith.addi %add3A_44, %add3A_137 : vector<16xi32>
    %gather3A_139 = tpu.vector_load_idx %arg5[%add3A_138] : memref<25600xi32, #tpu.memory_space<vmem>>[vector<16xi32>], vector<16xi32>,
    %swap3A_140 = arith.constant 224 : index
    %swap3A_141 = tpu.vector_load %arg6[%swap3A_140] {strides = array<i32>} : memref<256xi32, #tpu.memory_space<vmem>>, vector<16xi32>,
    tpu.vector_store %arg6[%swap3A_140], %gather3A_139 {strides = array<i32>} : memref<256xi32, #tpu.memory_space<vmem>>, vector<16xi32>,
    %add3A_142 = arith.constant 1 : i32
    %add3A_143 = vector.broadcast %add3A_142 : i32 to vector<16xi32>
    %add3A_144 = arith.addi %add3A_50, %add3A_143 : vector<16xi32>
    %gather3A_145 = tpu.vector_load_idx %arg5[%add3A_144] : memref<25600xi32, #tpu.memory_space<vmem>>[vector<16xi32>], vector<16xi32>,
    %swap3A_146 = arith.constant 240 : index
    %swap3A_147 = tpu.vector_load %arg6[%swap3A_146] {strides = array<i32>} : memref<256xi32, #tpu.memory_space<vmem>>, vector<16xi32>,
    tpu.vector_store %arg6[%swap3A_146], %gather3A_145 {strides = array<i32>} : memref<256xi32, #tpu.memory_space<vmem>>, vector<16xi32>,
    %dma_start3A = arith.constant 0 : i32
    %dma_start3A_148 = arith.constant 0 : i32
    %dma_start3A_149 = tpu.memref_slice %arg3[%dma_start3A, %dma_start3A_148] : memref<1000000x32xf32, #tpu.memory_space<hbm>> -> memref<1000000x32xf32, #tpu.memory_space<hbm>>
    tpu.enqueue_indirect_dma source(%dma_start3A_149 : memref<1000000x32xf32, #tpu.memory_space<hbm>>) target(%arg8 : memref<256x32xf32, #tpu.memory_space<vmem>>) offsets(%arg6 : memref<256xi32, #tpu.memory_space<vmem>>) semaphore(%arg12 : memref<!tpu.dma_semaphore, #tpu.memory_space<semaphore_mem>>)
    %scan3A = arith.constant 0 : i32
    %scan3A_150 = arith.constant 0 : i32
    %scan3A_151 = arith.constant 50 : i32
    %scan3A_152 = arith.addi %scan3A_150, %scan3A_151 : i32
    %scan3A_153 = arith.constant 1 : i32
    scf.for %scan3A_314 = %scan3A_150 to %scan3A_152 step %scan3A_153  : i32 {
      %mul3A_315 = arith.constant 2 : i32
      %mul3A_316 = arith.muli %scan3A_314, %mul3A_315 : i32
      %add3A_317 = arith.constant 0 : i32
      %add3A_318 = arith.addi %mul3A_316, %add3A_317 : i32
      %add3A_319 = arith.constant 1 : i32
      %add3A_320 = arith.addi %add3A_318, %add3A_319 : i32
      %mul3A_321 = arith.constant 2 : i32
      %mul3A_322 = arith.muli %add3A_320, %mul3A_321 : i32
      %add3A_323 = arith.constant 0 : i32
      %add3A_324 = arith.addi %mul3A_322, %add3A_323 : i32
      %add3A_325 = vector.broadcast %add3A_324 : i32 to vector<16xi32>
      %add3A_326 = arith.addi %add3A_8, %add3A_325 : vector<16xi32>
      %gather3A_327 = tpu.vector_load_idx %arg5[%add3A_326] : memref<25600xi32, #tpu.memory_space<vmem>>[vector<16xi32>], vector<16xi32>,
      %swap3A_328 = arith.constant 0 : index
      %swap3A_329 = tpu.vector_load %arg7[%swap3A_328] {strides = array<i32>} : memref<256xi32, #tpu.memory_space<vmem>>, vector<16xi32>,
      tpu.vector_store %arg7[%swap3A_328], %gather3A_327 {strides = array<i32>} : memref<256xi32, #tpu.memory_space<vmem>>, vector<16xi32>,
      %add3A_330 = arith.constant 0 : i32
      %add3A_331 = arith.addi %mul3A_322, %add3A_330 : i32
      %add3A_332 = vector.broadcast %add3A_331 : i32 to vector<16xi32>
      %add3A_333 = arith.addi %add3A_14, %add3A_332 : vector<16xi32>
      %gather3A_334 = tpu.vector_load_idx %arg5[%add3A_333] : memref<25600xi32, #tpu.memory_space<vmem>>[vector<16xi32>], vector<16xi32>,
      %swap3A_335 = arith.constant 16 : index
      %swap3A_336 = tpu.vector_load %arg7[%swap3A_335] {strides = array<i32>} : memref<256xi32, #tpu.memory_space<vmem>>, vector<16xi32>,
      tpu.vector_store %arg7[%swap3A_335], %gather3A_334 {strides = array<i32>} : memref<256xi32, #tpu.memory_space<vmem>>, vector<16xi32>,
      %add3A_337 = arith.constant 0 : i32
      %add3A_338 = arith.addi %mul3A_322, %add3A_337 : i32
      %add3A_339 = vector.broadcast %add3A_338 : i32 to vector<16xi32>
      %add3A_340 = arith.addi %add3A_20, %add3A_339 : vector<16xi32>
      %gather3A_341 = tpu.vector_load_idx %arg5[%add3A_340] : memref<25600xi32, #tpu.memory_space<vmem>>[vector<16xi32>], vector<16xi32>,
      %swap3A_342 = arith.constant 32 : index
      %swap3A_343 = tpu.vector_load %arg7[%swap3A_342] {strides = array<i32>} : memref<256xi32, #tpu.memory_space<vmem>>, vector<16xi32>,
      tpu.vector_store %arg7[%swap3A_342], %gather3A_341 {strides = array<i32>} : memref<256xi32, #tpu.memory_space<vmem>>, vector<16xi32>,
      %add3A_344 = arith.constant 0 : i32
      %add3A_345 = arith.addi %mul3A_322, %add3A_344 : i32
      %add3A_346 = vector.broadcast %add3A_345 : i32 to vector<16xi32>
      %add3A_347 = arith.addi %add3A_26, %add3A_346 : vector<16xi32>
      %gather3A_348 = tpu.vector_load_idx %arg5[%add3A_347] : memref<25600xi32, #tpu.memory_space<vmem>>[vector<16xi32>], vector<16xi32>,
      %swap3A_349 = arith.constant 48 : index
      %swap3A_350 = tpu.vector_load %arg7[%swap3A_349] {strides = array<i32>} : memref<256xi32, #tpu.memory_space<vmem>>, vector<16xi32>,
      tpu.vector_store %arg7[%swap3A_349], %gather3A_348 {strides = array<i32>} : memref<256xi32, #tpu.memory_space<vmem>>, vector<16xi32>,
      %add3A_351 = arith.constant 0 : i32
      %add3A_352 = arith.addi %mul3A_322, %add3A_351 : i32
      %add3A_353 = vector.broadcast %add3A_352 : i32 to vector<16xi32>
      %add3A_354 = arith.addi %add3A_32, %add3A_353 : vector<16xi32>
      %gather3A_355 = tpu.vector_load_idx %arg5[%add3A_354] : memref<25600xi32, #tpu.memory_space<vmem>>[vector<16xi32>], vector<16xi32>,
      %swap3A_356 = arith.constant 64 : index
      %swap3A_357 = tpu.vector_load %arg7[%swap3A_356] {strides = array<i32>} : memref<256xi32, #tpu.memory_space<vmem>>, vector<16xi32>,
      tpu.vector_store %arg7[%swap3A_356], %gather3A_355 {strides = array<i32>} : memref<256xi32, #tpu.memory_space<vmem>>, vector<16xi32>,
      %add3A_358 = arith.constant 0 : i32
      %add3A_359 = arith.addi %mul3A_322, %add3A_358 : i32
      %add3A_360 = vector.broadcast %add3A_359 : i32 to vector<16xi32>
      %add3A_361 = arith.addi %add3A_38, %add3A_360 : vector<16xi32>
      %gather3A_362 = tpu.vector_load_idx %arg5[%add3A_361] : memref<25600xi32, #tpu.memory_space<vmem>>[vector<16xi32>], vector<16xi32>,
      %swap3A_363 = arith.constant 80 : index
      %swap3A_364 = tpu.vector_load %arg7[%swap3A_363] {strides = array<i32>} : memref<256xi32, #tpu.memory_space<vmem>>, vector<16xi32>,
      tpu.vector_store %arg7[%swap3A_363], %gather3A_362 {strides = array<i32>} : memref<256xi32, #tpu.memory_space<vmem>>, vector<16xi32>,
      %add3A_365 = arith.constant 0 : i32
      %add3A_366 = arith.addi %mul3A_322, %add3A_365 : i32
      %add3A_367 = vector.broadcast %add3A_366 : i32 to vector<16xi32>
      %add3A_368 = arith.addi %add3A_44, %add3A_367 : vector<16xi32>
      %gather3A_369 = tpu.vector_load_idx %arg5[%add3A_368] : memref<25600xi32, #tpu.memory_space<vmem>>[vector<16xi32>], vector<16xi32>,
      %swap3A_370 = arith.constant 96 : index
      %swap3A_371 = tpu.vector_load %arg7[%swap3A_370] {strides = array<i32>} : memref<256xi32, #tpu.memory_space<vmem>>, vector<16xi32>,
      tpu.vector_store %arg7[%swap3A_370], %gather3A_369 {strides = array<i32>} : memref<256xi32, #tpu.memory_space<vmem>>, vector<16xi32>,
      %add3A_372 = arith.constant 0 : i32
      %add3A_373 = arith.addi %mul3A_322, %add3A_372 : i32
      %add3A_374 = vector.broadcast %add3A_373 : i32 to vector<16xi32>
      %add3A_375 = arith.addi %add3A_50, %add3A_374 : vector<16xi32>
      %gather3A_376 = tpu.vector_load_idx %arg5[%add3A_375] : memref<25600xi32, #tpu.memory_space<vmem>>[vector<16xi32>], vector<16xi32>,
      %swap3A_377 = arith.constant 112 : index
      %swap3A_378 = tpu.vector_load %arg7[%swap3A_377] {strides = array<i32>} : memref<256xi32, #tpu.memory_space<vmem>>, vector<16xi32>,
      tpu.vector_store %arg7[%swap3A_377], %gather3A_376 {strides = array<i32>} : memref<256xi32, #tpu.memory_space<vmem>>, vector<16xi32>,
      %add3A_379 = arith.constant 1 : i32
      %add3A_380 = arith.addi %mul3A_322, %add3A_379 : i32
      %add3A_381 = vector.broadcast %add3A_380 : i32 to vector<16xi32>
      %add3A_382 = arith.addi %add3A_8, %add3A_381 : vector<16xi32>
      %gather3A_383 = tpu.vector_load_idx %arg5[%add3A_382] : memref<25600xi32, #tpu.memory_space<vmem>>[vector<16xi32>], vector<16xi32>,
      %swap3A_384 = arith.constant 128 : index
      %swap3A_385 = tpu.vector_load %arg7[%swap3A_384] {strides = array<i32>} : memref<256xi32, #tpu.memory_space<vmem>>, vector<16xi32>,
      tpu.vector_store %arg7[%swap3A_384], %gather3A_383 {strides = array<i32>} : memref<256xi32, #tpu.memory_space<vmem>>, vector<16xi32>,
      %add3A_386 = arith.constant 1 : i32
      %add3A_387 = arith.addi %mul3A_322, %add3A_386 : i32
      %add3A_388 = vector.broadcast %add3A_387 : i32 to vector<16xi32>
      %add3A_389 = arith.addi %add3A_14, %add3A_388 : vector<16xi32>
      %gather3A_390 = tpu.vector_load_idx %arg5[%add3A_389] : memref<25600xi32, #tpu.memory_space<vmem>>[vector<16xi32>], vector<16xi32>,
      %swap3A_391 = arith.constant 144 : index
      %swap3A_392 = tpu.vector_load %arg7[%swap3A_391] {strides = array<i32>} : memref<256xi32, #tpu.memory_space<vmem>>, vector<16xi32>,
      tpu.vector_store %arg7[%swap3A_391], %gather3A_390 {strides = array<i32>} : memref<256xi32, #tpu.memory_space<vmem>>, vector<16xi32>,
      %add3A_393 = arith.constant 1 : i32
      %add3A_394 = arith.addi %mul3A_322, %add3A_393 : i32
      %add3A_395 = vector.broadcast %add3A_394 : i32 to vector<16xi32>
      %add3A_396 = arith.addi %add3A_20, %add3A_395 : vector<16xi32>
      %gather3A_397 = tpu.vector_load_idx %arg5[%add3A_396] : memref<25600xi32, #tpu.memory_space<vmem>>[vector<16xi32>], vector<16xi32>,
      %swap3A_398 = arith.constant 160 : index
      %swap3A_399 = tpu.vector_load %arg7[%swap3A_398] {strides = array<i32>} : memref<256xi32, #tpu.memory_space<vmem>>, vector<16xi32>,
      tpu.vector_store %arg7[%swap3A_398], %gather3A_397 {strides = array<i32>} : memref<256xi32, #tpu.memory_space<vmem>>, vector<16xi32>,
      %add3A_400 = arith.constant 1 : i32
      %add3A_401 = arith.addi %mul3A_322, %add3A_400 : i32
      %add3A_402 = vector.broadcast %add3A_401 : i32 to vector<16xi32>
      %add3A_403 = arith.addi %add3A_26, %add3A_402 : vector<16xi32>
      %gather3A_404 = tpu.vector_load_idx %arg5[%add3A_403] : memref<25600xi32, #tpu.memory_space<vmem>>[vector<16xi32>], vector<16xi32>,
      %swap3A_405 = arith.constant 176 : index
      %swap3A_406 = tpu.vector_load %arg7[%swap3A_405] {strides = array<i32>} : memref<256xi32, #tpu.memory_space<vmem>>, vector<16xi32>,
      tpu.vector_store %arg7[%swap3A_405], %gather3A_404 {strides = array<i32>} : memref<256xi32, #tpu.memory_space<vmem>>, vector<16xi32>,
      %add3A_407 = arith.constant 1 : i32
      %add3A_408 = arith.addi %mul3A_322, %add3A_407 : i32
      %add3A_409 = vector.broadcast %add3A_408 : i32 to vector<16xi32>
      %add3A_410 = arith.addi %add3A_32, %add3A_409 : vector<16xi32>
      %gather3A_411 = tpu.vector_load_idx %arg5[%add3A_410] : memref<25600xi32, #tpu.memory_space<vmem>>[vector<16xi32>], vector<16xi32>,
      %swap3A_412 = arith.constant 192 : index
      %swap3A_413 = tpu.vector_load %arg7[%swap3A_412] {strides = array<i32>} : memref<256xi32, #tpu.memory_space<vmem>>, vector<16xi32>,
      tpu.vector_store %arg7[%swap3A_412], %gather3A_411 {strides = array<i32>} : memref<256xi32, #tpu.memory_space<vmem>>, vector<16xi32>,
      %add3A_414 = arith.constant 1 : i32
      %add3A_415 = arith.addi %mul3A_322, %add3A_414 : i32
      %add3A_416 = vector.broadcast %add3A_415 : i32 to vector<16xi32>
      %add3A_417 = arith.addi %add3A_38, %add3A_416 : vector<16xi32>
      %gather3A_418 = tpu.vector_load_idx %arg5[%add3A_417] : memref<25600xi32, #tpu.memory_space<vmem>>[vector<16xi32>], vector<16xi32>,
      %swap3A_419 = arith.constant 208 : index
      %swap3A_420 = tpu.vector_load %arg7[%swap3A_419] {strides = array<i32>} : memref<256xi32, #tpu.memory_space<vmem>>, vector<16xi32>,
      tpu.vector_store %arg7[%swap3A_419], %gather3A_418 {strides = array<i32>} : memref<256xi32, #tpu.memory_space<vmem>>, vector<16xi32>,
      %add3A_421 = arith.constant 1 : i32
      %add3A_422 = arith.addi %mul3A_322, %add3A_421 : i32
      %add3A_423 = vector.broadcast %add3A_422 : i32 to vector<16xi32>
      %add3A_424 = arith.addi %add3A_44, %add3A_423 : vector<16xi32>
      %gather3A_425 = tpu.vector_load_idx %arg5[%add3A_424] : memref<25600xi32, #tpu.memory_space<vmem>>[vector<16xi32>], vector<16xi32>,
      %swap3A_426 = arith.constant 224 : index
      %swap3A_427 = tpu.vector_load %arg7[%swap3A_426] {strides = array<i32>} : memref<256xi32, #tpu.memory_space<vmem>>, vector<16xi32>,
      tpu.vector_store %arg7[%swap3A_426], %gather3A_425 {strides = array<i32>} : memref<256xi32, #tpu.memory_space<vmem>>, vector<16xi32>,
      %add3A_428 = arith.constant 1 : i32
      %add3A_429 = arith.addi %mul3A_322, %add3A_428 : i32
      %add3A_430 = vector.broadcast %add3A_429 : i32 to vector<16xi32>
      %add3A_431 = arith.addi %add3A_50, %add3A_430 : vector<16xi32>
      %gather3A_432 = tpu.vector_load_idx %arg5[%add3A_431] : memref<25600xi32, #tpu.memory_space<vmem>>[vector<16xi32>], vector<16xi32>,
      %swap3A_433 = arith.constant 240 : index
      %swap3A_434 = tpu.vector_load %arg7[%swap3A_433] {strides = array<i32>} : memref<256xi32, #tpu.memory_space<vmem>>, vector<16xi32>,
      tpu.vector_store %arg7[%swap3A_433], %gather3A_432 {strides = array<i32>} : memref<256xi32, #tpu.memory_space<vmem>>, vector<16xi32>,
      %dma_start3A_435 = arith.constant 0 : i32
      %dma_start3A_436 = arith.constant 0 : i32
      %dma_start3A_437 = tpu.memref_slice %arg3[%dma_start3A_435, %dma_start3A_436] : memref<1000000x32xf32, #tpu.memory_space<hbm>> -> memref<1000000x32xf32, #tpu.memory_space<hbm>>
      tpu.enqueue_indirect_dma source(%dma_start3A_437 : memref<1000000x32xf32, #tpu.memory_space<hbm>>) target(%arg9 : memref<256x32xf32, #tpu.memory_space<vmem>>) offsets(%arg7 : memref<256xi32, #tpu.memory_space<vmem>>) semaphore(%arg13 : memref<!tpu.dma_semaphore, #tpu.memory_space<semaphore_mem>>)
      %dma_wait3A_438 = arith.constant 0 : i32
      %dma_wait3A_439 = arith.constant 0 : i32
      %dma_wait3A_440 = tpu.memref_slice %arg3[%dma_wait3A_438, %dma_wait3A_439] : memref<1000000x32xf32, #tpu.memory_space<hbm>> -> memref<1000000x32xf32, #tpu.memory_space<hbm>>
      tpu.wait_indirect_dma semaphore(%arg12 : memref<!tpu.dma_semaphore, #tpu.memory_space<semaphore_mem>>) src(%dma_wait3A_440 : memref<1000000x32xf32, #tpu.memory_space<hbm>>) dst(%arg8 : memref<256x32xf32, #tpu.memory_space<vmem>>)
      %ge3A = arith.constant 1 : i32
      %ge3A_441 = arith.cmpi sge, %scan3A_314, %ge3A : i32
      %convert_element_type3A = arith.extui %ge3A_441 : i1 to i32
      %cond3A = arith.constant 0 : i32
      %cond3A_442 = arith.cmpi ne, %convert_element_type3A, %cond3A : i32
      scf.if %cond3A_442 {
        %sub3A = arith.constant 2 : i32
        %sub3A_774 = arith.subi %add3A_318, %sub3A : i32
        %mul3A_775 = arith.constant 2 : i32
        %mul3A_776 = arith.muli %sub3A_774, %mul3A_775 : i32
        %add3A_777 = arith.constant 0 : i32
        %add3A_778 = arith.addi %mul3A_776, %add3A_777 : i32
        %mul3A_779 = arith.constant 4 : i32
        %mul3A_780 = arith.muli %add3A_778, %mul3A_779 : i32
        %add3A_781 = arith.constant 0 : i32
        %add3A_782 = arith.addi %mul3A_780, %add3A_781 : i32
        %mul3A_783 = arith.constant 32 : i32
        %mul3A_784 = arith.muli %add3A_782, %mul3A_783 : i32
        %add3A_785 = arith.addi %mul3A_784, %add3A : i32
        %mul3A_786 = arith.constant 1024 : i32
        %mul3A_787 = arith.muli %add3A_785, %mul3A_786 : i32
        %mul3A_788 = arith.constant 2 : i32
        %mul3A_789 = arith.muli %sub3A_774, %mul3A_788 : i32
        %add3A_790 = arith.constant 0 : i32
        %add3A_791 = arith.addi %mul3A_789, %add3A_790 : i32
        %mul3A_792 = arith.constant 4 : i32
        %mul3A_793 = arith.muli %add3A_791, %mul3A_792 : i32
        %add3A_794 = arith.constant 1 : i32
        %add3A_795 = arith.addi %mul3A_793, %add3A_794 : i32
        %mul3A_796 = arith.constant 32 : i32
        %mul3A_797 = arith.muli %add3A_795, %mul3A_796 : i32
        %add3A_798 = arith.addi %mul3A_797, %add3A : i32
        %mul3A_799 = arith.constant 1024 : i32
        %mul3A_800 = arith.muli %add3A_798, %mul3A_799 : i32
        %mul3A_801 = arith.constant 2 : i32
        %mul3A_802 = arith.muli %sub3A_774, %mul3A_801 : i32
        %add3A_803 = arith.constant 0 : i32
        %add3A_804 = arith.addi %mul3A_802, %add3A_803 : i32
        %mul3A_805 = arith.constant 4 : i32
        %mul3A_806 = arith.muli %add3A_804, %mul3A_805 : i32
        %add3A_807 = arith.constant 2 : i32
        %add3A_808 = arith.addi %mul3A_806, %add3A_807 : i32
        %mul3A_809 = arith.constant 32 : i32
        %mul3A_810 = arith.muli %add3A_808, %mul3A_809 : i32
        %add3A_811 = arith.addi %mul3A_810, %add3A : i32
        %mul3A_812 = arith.constant 1024 : i32
        %mul3A_813 = arith.muli %add3A_811, %mul3A_812 : i32
        %mul3A_814 = arith.constant 2 : i32
        %mul3A_815 = arith.muli %sub3A_774, %mul3A_814 : i32
        %add3A_816 = arith.constant 0 : i32
        %add3A_817 = arith.addi %mul3A_815, %add3A_816 : i32
        %mul3A_818 = arith.constant 4 : i32
        %mul3A_819 = arith.muli %add3A_817, %mul3A_818 : i32
        %add3A_820 = arith.constant 3 : i32
        %add3A_821 = arith.addi %mul3A_819, %add3A_820 : i32
        %mul3A_822 = arith.constant 32 : i32
        %mul3A_823 = arith.muli %add3A_821, %mul3A_822 : i32
        %add3A_824 = arith.addi %mul3A_823, %add3A : i32
        %mul3A_825 = arith.constant 1024 : i32
        %mul3A_826 = arith.muli %add3A_824, %mul3A_825 : i32
        %mul3A_827 = arith.constant 2 : i32
        %mul3A_828 = arith.muli %sub3A_774, %mul3A_827 : i32
        %add3A_829 = arith.constant 1 : i32
        %add3A_830 = arith.addi %mul3A_828, %add3A_829 : i32
        %mul3A_831 = arith.constant 4 : i32
        %mul3A_832 = arith.muli %add3A_830, %mul3A_831 : i32
        %add3A_833 = arith.constant 0 : i32
        %add3A_834 = arith.addi %mul3A_832, %add3A_833 : i32
        %mul3A_835 = arith.constant 32 : i32
        %mul3A_836 = arith.muli %add3A_834, %mul3A_835 : i32
        %add3A_837 = arith.addi %mul3A_836, %add3A : i32
        %mul3A_838 = arith.constant 1024 : i32
        %mul3A_839 = arith.muli %add3A_837, %mul3A_838 : i32
        %mul3A_840 = arith.constant 2 : i32
        %mul3A_841 = arith.muli %sub3A_774, %mul3A_840 : i32
        %add3A_842 = arith.constant 1 : i32
        %add3A_843 = arith.addi %mul3A_841, %add3A_842 : i32
        %mul3A_844 = arith.constant 4 : i32
        %mul3A_845 = arith.muli %add3A_843, %mul3A_844 : i32
        %add3A_846 = arith.constant 1 : i32
        %add3A_847 = arith.addi %mul3A_845, %add3A_846 : i32
        %mul3A_848 = arith.constant 32 : i32
        %mul3A_849 = arith.muli %add3A_847, %mul3A_848 : i32
        %add3A_850 = arith.addi %mul3A_849, %add3A : i32
        %mul3A_851 = arith.constant 1024 : i32
        %mul3A_852 = arith.muli %add3A_850, %mul3A_851 : i32
        %mul3A_853 = arith.constant 2 : i32
        %mul3A_854 = arith.muli %sub3A_774, %mul3A_853 : i32
        %add3A_855 = arith.constant 1 : i32
        %add3A_856 = arith.addi %mul3A_854, %add3A_855 : i32
        %mul3A_857 = arith.constant 4 : i32
        %mul3A_858 = arith.muli %add3A_856, %mul3A_857 : i32
        %add3A_859 = arith.constant 2 : i32
        %add3A_860 = arith.addi %mul3A_858, %add3A_859 : i32
        %mul3A_861 = arith.constant 32 : i32
        %mul3A_862 = arith.muli %add3A_860, %mul3A_861 : i32
        %add3A_863 = arith.addi %mul3A_862, %add3A : i32
        %mul3A_864 = arith.constant 1024 : i32
        %mul3A_865 = arith.muli %add3A_863, %mul3A_864 : i32
        %mul3A_866 = arith.constant 2 : i32
        %mul3A_867 = arith.muli %sub3A_774, %mul3A_866 : i32
        %add3A_868 = arith.constant 1 : i32
        %add3A_869 = arith.addi %mul3A_867, %add3A_868 : i32
        %mul3A_870 = arith.constant 4 : i32
        %mul3A_871 = arith.muli %add3A_869, %mul3A_870 : i32
        %add3A_872 = arith.constant 3 : i32
        %add3A_873 = arith.addi %mul3A_871, %add3A_872 : i32
        %mul3A_874 = arith.constant 32 : i32
        %mul3A_875 = arith.muli %add3A_873, %mul3A_874 : i32
        %add3A_876 = arith.addi %mul3A_875, %add3A : i32
        %mul3A_877 = arith.constant 1024 : i32
        %mul3A_878 = arith.muli %add3A_876, %mul3A_877 : i32
        %dma_wait3A_879 = arith.constant 0 : i32
        %dma_wait3A_880 = tpu.memref_slice %arg10[%dma_wait3A_879] : memref<8192xf32, #tpu.memory_space<vmem>> -> memref<1024xf32, #tpu.memory_space<vmem>>
        %dma_wait3A_881 = tpu.memref_slice %arg4[%mul3A_787] : memref<26214400xf32, #tpu.memory_space<hbm>> -> memref<1024xf32, #tpu.memory_space<hbm>>
        %dma_wait3A_882 = tpu.memref_slice %arg4[%mul3A_787] : memref<26214400xf32, #tpu.memory_space<hbm>> -> memref<1024xf32, #tpu.memory_space<hbm>>
        %dma_wait3A_883 = arith.constant 0 : i32
        %dma_wait3A_884 = tpu.memref_slice %arg10[%dma_wait3A_883] : memref<8192xf32, #tpu.memory_space<vmem>> -> memref<1024xf32, #tpu.memory_space<vmem>>
        tpu.wait_dma2 semaphore(%arg14 : memref<!tpu.dma_semaphore, #tpu.memory_space<semaphore_mem>>) src(%dma_wait3A_884 : memref<1024xf32, #tpu.memory_space<vmem>>) dst(%dma_wait3A_882 : memref<1024xf32, #tpu.memory_space<hbm>>)
        %dma_wait3A_885 = arith.constant 1024 : i32
        %dma_wait3A_886 = tpu.memref_slice %arg10[%dma_wait3A_885] : memref<8192xf32, #tpu.memory_space<vmem>> -> memref<1024xf32, #tpu.memory_space<vmem>>
        %dma_wait3A_887 = tpu.memref_slice %arg4[%mul3A_800] : memref<26214400xf32, #tpu.memory_space<hbm>> -> memref<1024xf32, #tpu.memory_space<hbm>>
        %dma_wait3A_888 = tpu.memref_slice %arg4[%mul3A_800] : memref<26214400xf32, #tpu.memory_space<hbm>> -> memref<1024xf32, #tpu.memory_space<hbm>>
        %dma_wait3A_889 = arith.constant 1024 : i32
        %dma_wait3A_890 = tpu.memref_slice %arg10[%dma_wait3A_889] : memref<8192xf32, #tpu.memory_space<vmem>> -> memref<1024xf32, #tpu.memory_space<vmem>>
        tpu.wait_dma2 semaphore(%arg14 : memref<!tpu.dma_semaphore, #tpu.memory_space<semaphore_mem>>) src(%dma_wait3A_890 : memref<1024xf32, #tpu.memory_space<vmem>>) dst(%dma_wait3A_888 : memref<1024xf32, #tpu.memory_space<hbm>>)
        %dma_wait3A_891 = arith.constant 2048 : i32
        %dma_wait3A_892 = tpu.memref_slice %arg10[%dma_wait3A_891] : memref<8192xf32, #tpu.memory_space<vmem>> -> memref<1024xf32, #tpu.memory_space<vmem>>
        %dma_wait3A_893 = tpu.memref_slice %arg4[%mul3A_813] : memref<26214400xf32, #tpu.memory_space<hbm>> -> memref<1024xf32, #tpu.memory_space<hbm>>
        %dma_wait3A_894 = tpu.memref_slice %arg4[%mul3A_813] : memref<26214400xf32, #tpu.memory_space<hbm>> -> memref<1024xf32, #tpu.memory_space<hbm>>
        %dma_wait3A_895 = arith.constant 2048 : i32
        %dma_wait3A_896 = tpu.memref_slice %arg10[%dma_wait3A_895] : memref<8192xf32, #tpu.memory_space<vmem>> -> memref<1024xf32, #tpu.memory_space<vmem>>
        tpu.wait_dma2 semaphore(%arg14 : memref<!tpu.dma_semaphore, #tpu.memory_space<semaphore_mem>>) src(%dma_wait3A_896 : memref<1024xf32, #tpu.memory_space<vmem>>) dst(%dma_wait3A_894 : memref<1024xf32, #tpu.memory_space<hbm>>)
        %dma_wait3A_897 = arith.constant 3072 : i32
        %dma_wait3A_898 = tpu.memref_slice %arg10[%dma_wait3A_897] : memref<8192xf32, #tpu.memory_space<vmem>> -> memref<1024xf32, #tpu.memory_space<vmem>>
        %dma_wait3A_899 = tpu.memref_slice %arg4[%mul3A_826] : memref<26214400xf32, #tpu.memory_space<hbm>> -> memref<1024xf32, #tpu.memory_space<hbm>>
        %dma_wait3A_900 = tpu.memref_slice %arg4[%mul3A_826] : memref<26214400xf32, #tpu.memory_space<hbm>> -> memref<1024xf32, #tpu.memory_space<hbm>>
        %dma_wait3A_901 = arith.constant 3072 : i32
        %dma_wait3A_902 = tpu.memref_slice %arg10[%dma_wait3A_901] : memref<8192xf32, #tpu.memory_space<vmem>> -> memref<1024xf32, #tpu.memory_space<vmem>>
        tpu.wait_dma2 semaphore(%arg14 : memref<!tpu.dma_semaphore, #tpu.memory_space<semaphore_mem>>) src(%dma_wait3A_902 : memref<1024xf32, #tpu.memory_space<vmem>>) dst(%dma_wait3A_900 : memref<1024xf32, #tpu.memory_space<hbm>>)
        %dma_wait3A_903 = arith.constant 4096 : i32
        %dma_wait3A_904 = tpu.memref_slice %arg10[%dma_wait3A_903] : memref<8192xf32, #tpu.memory_space<vmem>> -> memref<1024xf32, #tpu.memory_space<vmem>>
        %dma_wait3A_905 = tpu.memref_slice %arg4[%mul3A_839] : memref<26214400xf32, #tpu.memory_space<hbm>> -> memref<1024xf32, #tpu.memory_space<hbm>>
        %dma_wait3A_906 = tpu.memref_slice %arg4[%mul3A_839] : memref<26214400xf32, #tpu.memory_space<hbm>> -> memref<1024xf32, #tpu.memory_space<hbm>>
        %dma_wait3A_907 = arith.constant 4096 : i32
        %dma_wait3A_908 = tpu.memref_slice %arg10[%dma_wait3A_907] : memref<8192xf32, #tpu.memory_space<vmem>> -> memref<1024xf32, #tpu.memory_space<vmem>>
        tpu.wait_dma2 semaphore(%arg14 : memref<!tpu.dma_semaphore, #tpu.memory_space<semaphore_mem>>) src(%dma_wait3A_908 : memref<1024xf32, #tpu.memory_space<vmem>>) dst(%dma_wait3A_906 : memref<1024xf32, #tpu.memory_space<hbm>>)
        %dma_wait3A_909 = arith.constant 5120 : i32
        %dma_wait3A_910 = tpu.memref_slice %arg10[%dma_wait3A_909] : memref<8192xf32, #tpu.memory_space<vmem>> -> memref<1024xf32, #tpu.memory_space<vmem>>
        %dma_wait3A_911 = tpu.memref_slice %arg4[%mul3A_852] : memref<26214400xf32, #tpu.memory_space<hbm>> -> memref<1024xf32, #tpu.memory_space<hbm>>
        %dma_wait3A_912 = tpu.memref_slice %arg4[%mul3A_852] : memref<26214400xf32, #tpu.memory_space<hbm>> -> memref<1024xf32, #tpu.memory_space<hbm>>
        %dma_wait3A_913 = arith.constant 5120 : i32
        %dma_wait3A_914 = tpu.memref_slice %arg10[%dma_wait3A_913] : memref<8192xf32, #tpu.memory_space<vmem>> -> memref<1024xf32, #tpu.memory_space<vmem>>
        tpu.wait_dma2 semaphore(%arg14 : memref<!tpu.dma_semaphore, #tpu.memory_space<semaphore_mem>>) src(%dma_wait3A_914 : memref<1024xf32, #tpu.memory_space<vmem>>) dst(%dma_wait3A_912 : memref<1024xf32, #tpu.memory_space<hbm>>)
        %dma_wait3A_915 = arith.constant 6144 : i32
        %dma_wait3A_916 = tpu.memref_slice %arg10[%dma_wait3A_915] : memref<8192xf32, #tpu.memory_space<vmem>> -> memref<1024xf32, #tpu.memory_space<vmem>>
        %dma_wait3A_917 = tpu.memref_slice %arg4[%mul3A_865] : memref<26214400xf32, #tpu.memory_space<hbm>> -> memref<1024xf32, #tpu.memory_space<hbm>>
        %dma_wait3A_918 = tpu.memref_slice %arg4[%mul3A_865] : memref<26214400xf32, #tpu.memory_space<hbm>> -> memref<1024xf32, #tpu.memory_space<hbm>>
        %dma_wait3A_919 = arith.constant 6144 : i32
        %dma_wait3A_920 = tpu.memref_slice %arg10[%dma_wait3A_919] : memref<8192xf32, #tpu.memory_space<vmem>> -> memref<1024xf32, #tpu.memory_space<vmem>>
        tpu.wait_dma2 semaphore(%arg14 : memref<!tpu.dma_semaphore, #tpu.memory_space<semaphore_mem>>) src(%dma_wait3A_920 : memref<1024xf32, #tpu.memory_space<vmem>>) dst(%dma_wait3A_918 : memref<1024xf32, #tpu.memory_space<hbm>>)
        %dma_wait3A_921 = arith.constant 7168 : i32
        %dma_wait3A_922 = tpu.memref_slice %arg10[%dma_wait3A_921] : memref<8192xf32, #tpu.memory_space<vmem>> -> memref<1024xf32, #tpu.memory_space<vmem>>
        %dma_wait3A_923 = tpu.memref_slice %arg4[%mul3A_878] : memref<26214400xf32, #tpu.memory_space<hbm>> -> memref<1024xf32, #tpu.memory_space<hbm>>
        %dma_wait3A_924 = tpu.memref_slice %arg4[%mul3A_878] : memref<26214400xf32, #tpu.memory_space<hbm>> -> memref<1024xf32, #tpu.memory_space<hbm>>
        %dma_wait3A_925 = arith.constant 7168 : i32
        %dma_wait3A_926 = tpu.memref_slice %arg10[%dma_wait3A_925] : memref<8192xf32, #tpu.memory_space<vmem>> -> memref<1024xf32, #tpu.memory_space<vmem>>
        tpu.wait_dma2 semaphore(%arg14 : memref<!tpu.dma_semaphore, #tpu.memory_space<semaphore_mem>>) src(%dma_wait3A_926 : memref<1024xf32, #tpu.memory_space<vmem>>) dst(%dma_wait3A_924 : memref<1024xf32, #tpu.memory_space<hbm>>)
      } else {
      }
      %parallel_loop3A = arith.constant 0 : i32
      %parallel_loop3A_443 = arith.constant 256 : i32
      %parallel_loop3A_444 = arith.constant 1 : i32
      scf.for %parallel_loop3A_774 = %parallel_loop3A to %parallel_loop3A_443 step %parallel_loop3A_444  : i32 {
        %parallel_loop3A_775 = arith.constant 31 : i32
        %parallel_loop3A_776 = arith.andi %parallel_loop3A_774, %parallel_loop3A_775 : i32
        %parallel_loop3A_777 = arith.constant 5 : i32
        %parallel_loop3A_778 = arith.shrsi %parallel_loop3A_774, %parallel_loop3A_777 : i32
        %parallel_loop3A_779 = arith.constant 4 : i32
        %parallel_loop3A_780 = arith.shli %parallel_loop3A_778, %parallel_loop3A_779 : i32
        %parallel_loop3A_781 = vector.broadcast %parallel_loop3A_776 : i32 to vector<16xi32>
        %parallel_loop3A_782 = arith.addi %iota3A, %parallel_loop3A_781 : vector<16xi32>
        %parallel_loop3A_783 = arith.constant 31 : i32
        %parallel_loop3A_784 = vector.broadcast %parallel_loop3A_783 : i32 to vector<16xi32>
        %parallel_loop3A_785 = arith.andi %parallel_loop3A_782, %parallel_loop3A_784 : vector<16xi32>
        %parallel_loop3A_786 = arith.constant 0 : i32
        %parallel_loop3A_787 = arith.addi %parallel_loop3A_786, %parallel_loop3A_780 : i32
        %parallel_loop3A_788 = vector.broadcast %parallel_loop3A_787 : i32 to vector<16xi32>
        %parallel_loop3A_789 = arith.addi %iota3A, %parallel_loop3A_788 : vector<16xi32>
        %parallel_loop3A_790 = tpu.vector_load_idx %arg8[%parallel_loop3A_789, %parallel_loop3A_785] : memref<256x32xf32, #tpu.memory_space<vmem>>[vector<16xi32>, vector<16xi32>], vector<16xf32>,
        %parallel_loop3A_791 = arith.constant 7 : i32
        %parallel_loop3A_792 = vector.broadcast %parallel_loop3A_791 : i32 to vector<16xi32>
        %parallel_loop3A_793 = arith.shli %parallel_loop3A_785, %parallel_loop3A_792 : vector<16xi32>
        %parallel_loop3A_794 = arith.addi %parallel_loop3A_793, %parallel_loop3A_789 : vector<16xi32>
        %parallel_loop3A_795 = arith.constant 0 : i32
        %parallel_loop3A_796 = vector.broadcast %parallel_loop3A_795 : i32 to vector<16xi32>
        %parallel_loop3A_797 = arith.addi %parallel_loop3A_794, %parallel_loop3A_796 : vector<16xi32>
        tpu.vector_store_idx %arg10[%parallel_loop3A_797], %parallel_loop3A_790 : memref<8192xf32, #tpu.memory_space<vmem>>[vector<16xi32>], vector<16xf32>,
      } {sc.loop_unroll_factor = 8 : i64, sc.parallel_access}
      %parallel_loop3A_445 = arith.constant 0 : i32
      %parallel_loop3A_446 = arith.constant 256 : i32
      %parallel_loop3A_447 = arith.constant 1 : i32
      scf.for %parallel_loop3A_774 = %parallel_loop3A_445 to %parallel_loop3A_446 step %parallel_loop3A_447  : i32 {
        %parallel_loop3A_775 = arith.constant 31 : i32
        %parallel_loop3A_776 = arith.andi %parallel_loop3A_774, %parallel_loop3A_775 : i32
        %parallel_loop3A_777 = arith.constant 5 : i32
        %parallel_loop3A_778 = arith.shrsi %parallel_loop3A_774, %parallel_loop3A_777 : i32
        %parallel_loop3A_779 = arith.constant 4 : i32
        %parallel_loop3A_780 = arith.shli %parallel_loop3A_778, %parallel_loop3A_779 : i32
        %parallel_loop3A_781 = vector.broadcast %parallel_loop3A_776 : i32 to vector<16xi32>
        %parallel_loop3A_782 = arith.addi %iota3A, %parallel_loop3A_781 : vector<16xi32>
        %parallel_loop3A_783 = arith.constant 31 : i32
        %parallel_loop3A_784 = vector.broadcast %parallel_loop3A_783 : i32 to vector<16xi32>
        %parallel_loop3A_785 = arith.andi %parallel_loop3A_782, %parallel_loop3A_784 : vector<16xi32>
        %parallel_loop3A_786 = arith.constant 128 : i32
        %parallel_loop3A_787 = arith.addi %parallel_loop3A_786, %parallel_loop3A_780 : i32
        %parallel_loop3A_788 = vector.broadcast %parallel_loop3A_787 : i32 to vector<16xi32>
        %parallel_loop3A_789 = arith.addi %iota3A, %parallel_loop3A_788 : vector<16xi32>
        %parallel_loop3A_790 = tpu.vector_load_idx %arg8[%parallel_loop3A_789, %parallel_loop3A_785] : memref<256x32xf32, #tpu.memory_space<vmem>>[vector<16xi32>, vector<16xi32>], vector<16xf32>,
        %parallel_loop3A_791 = arith.constant 7 : i32
        %parallel_loop3A_792 = vector.broadcast %parallel_loop3A_791 : i32 to vector<16xi32>
        %parallel_loop3A_793 = arith.shli %parallel_loop3A_785, %parallel_loop3A_792 : vector<16xi32>
        %parallel_loop3A_794 = arith.addi %parallel_loop3A_793, %parallel_loop3A_789 : vector<16xi32>
        %parallel_loop3A_795 = arith.constant 3968 : i32
        %parallel_loop3A_796 = vector.broadcast %parallel_loop3A_795 : i32 to vector<16xi32>
        %parallel_loop3A_797 = arith.addi %parallel_loop3A_794, %parallel_loop3A_796 : vector<16xi32>
        tpu.vector_store_idx %arg10[%parallel_loop3A_797], %parallel_loop3A_790 : memref<8192xf32, #tpu.memory_space<vmem>>[vector<16xi32>], vector<16xf32>,
      } {sc.loop_unroll_factor = 8 : i64, sc.parallel_access}
      %mul3A_448 = arith.constant 2 : i32
      %mul3A_449 = arith.muli %add3A_318, %mul3A_448 : i32
      %add3A_450 = arith.constant 0 : i32
      %add3A_451 = arith.addi %mul3A_449, %add3A_450 : i32
      %mul3A_452 = arith.constant 4 : i32
      %mul3A_453 = arith.muli %add3A_451, %mul3A_452 : i32
      %add3A_454 = arith.constant 0 : i32
      %add3A_455 = arith.addi %mul3A_453, %add3A_454 : i32
      %mul3A_456 = arith.constant 32 : i32
      %mul3A_457 = arith.muli %add3A_455, %mul3A_456 : i32
      %add3A_458 = arith.addi %mul3A_457, %add3A : i32
      %mul3A_459 = arith.constant 1024 : i32
      %mul3A_460 = arith.muli %add3A_458, %mul3A_459 : i32
      %mul3A_461 = arith.constant 2 : i32
      %mul3A_462 = arith.muli %add3A_318, %mul3A_461 : i32
      %add3A_463 = arith.constant 0 : i32
      %add3A_464 = arith.addi %mul3A_462, %add3A_463 : i32
      %mul3A_465 = arith.constant 4 : i32
      %mul3A_466 = arith.muli %add3A_464, %mul3A_465 : i32
      %add3A_467 = arith.constant 1 : i32
      %add3A_468 = arith.addi %mul3A_466, %add3A_467 : i32
      %mul3A_469 = arith.constant 32 : i32
      %mul3A_470 = arith.muli %add3A_468, %mul3A_469 : i32
      %add3A_471 = arith.addi %mul3A_470, %add3A : i32
      %mul3A_472 = arith.constant 1024 : i32
      %mul3A_473 = arith.muli %add3A_471, %mul3A_472 : i32
      %mul3A_474 = arith.constant 2 : i32
      %mul3A_475 = arith.muli %add3A_318, %mul3A_474 : i32
      %add3A_476 = arith.constant 0 : i32
      %add3A_477 = arith.addi %mul3A_475, %add3A_476 : i32
      %mul3A_478 = arith.constant 4 : i32
      %mul3A_479 = arith.muli %add3A_477, %mul3A_478 : i32
      %add3A_480 = arith.constant 2 : i32
      %add3A_481 = arith.addi %mul3A_479, %add3A_480 : i32
      %mul3A_482 = arith.constant 32 : i32
      %mul3A_483 = arith.muli %add3A_481, %mul3A_482 : i32
      %add3A_484 = arith.addi %mul3A_483, %add3A : i32
      %mul3A_485 = arith.constant 1024 : i32
      %mul3A_486 = arith.muli %add3A_484, %mul3A_485 : i32
      %mul3A_487 = arith.constant 2 : i32
      %mul3A_488 = arith.muli %add3A_318, %mul3A_487 : i32
      %add3A_489 = arith.constant 0 : i32
      %add3A_490 = arith.addi %mul3A_488, %add3A_489 : i32
      %mul3A_491 = arith.constant 4 : i32
      %mul3A_492 = arith.muli %add3A_490, %mul3A_491 : i32
      %add3A_493 = arith.constant 3 : i32
      %add3A_494 = arith.addi %mul3A_492, %add3A_493 : i32
      %mul3A_495 = arith.constant 32 : i32
      %mul3A_496 = arith.muli %add3A_494, %mul3A_495 : i32
      %add3A_497 = arith.addi %mul3A_496, %add3A : i32
      %mul3A_498 = arith.constant 1024 : i32
      %mul3A_499 = arith.muli %add3A_497, %mul3A_498 : i32
      %mul3A_500 = arith.constant 2 : i32
      %mul3A_501 = arith.muli %add3A_318, %mul3A_500 : i32
      %add3A_502 = arith.constant 1 : i32
      %add3A_503 = arith.addi %mul3A_501, %add3A_502 : i32
      %mul3A_504 = arith.constant 4 : i32
      %mul3A_505 = arith.muli %add3A_503, %mul3A_504 : i32
      %add3A_506 = arith.constant 0 : i32
      %add3A_507 = arith.addi %mul3A_505, %add3A_506 : i32
      %mul3A_508 = arith.constant 32 : i32
      %mul3A_509 = arith.muli %add3A_507, %mul3A_508 : i32
      %add3A_510 = arith.addi %mul3A_509, %add3A : i32
      %mul3A_511 = arith.constant 1024 : i32
      %mul3A_512 = arith.muli %add3A_510, %mul3A_511 : i32
      %mul3A_513 = arith.constant 2 : i32
      %mul3A_514 = arith.muli %add3A_318, %mul3A_513 : i32
      %add3A_515 = arith.constant 1 : i32
      %add3A_516 = arith.addi %mul3A_514, %add3A_515 : i32
      %mul3A_517 = arith.constant 4 : i32
      %mul3A_518 = arith.muli %add3A_516, %mul3A_517 : i32
      %add3A_519 = arith.constant 1 : i32
      %add3A_520 = arith.addi %mul3A_518, %add3A_519 : i32
      %mul3A_521 = arith.constant 32 : i32
      %mul3A_522 = arith.muli %add3A_520, %mul3A_521 : i32
      %add3A_523 = arith.addi %mul3A_522, %add3A : i32
      %mul3A_524 = arith.constant 1024 : i32
      %mul3A_525 = arith.muli %add3A_523, %mul3A_524 : i32
      %mul3A_526 = arith.constant 2 : i32
      %mul3A_527 = arith.muli %add3A_318, %mul3A_526 : i32
      %add3A_528 = arith.constant 1 : i32
      %add3A_529 = arith.addi %mul3A_527, %add3A_528 : i32
      %mul3A_530 = arith.constant 4 : i32
      %mul3A_531 = arith.muli %add3A_529, %mul3A_530 : i32
      %add3A_532 = arith.constant 2 : i32
      %add3A_533 = arith.addi %mul3A_531, %add3A_532 : i32
      %mul3A_534 = arith.constant 32 : i32
      %mul3A_535 = arith.muli %add3A_533, %mul3A_534 : i32
      %add3A_536 = arith.addi %mul3A_535, %add3A : i32
      %mul3A_537 = arith.constant 1024 : i32
      %mul3A_538 = arith.muli %add3A_536, %mul3A_537 : i32
      %mul3A_539 = arith.constant 2 : i32
      %mul3A_540 = arith.muli %add3A_318, %mul3A_539 : i32
      %add3A_541 = arith.constant 1 : i32
      %add3A_542 = arith.addi %mul3A_540, %add3A_541 : i32
      %mul3A_543 = arith.constant 4 : i32
      %mul3A_544 = arith.muli %add3A_542, %mul3A_543 : i32
      %add3A_545 = arith.constant 3 : i32
      %add3A_546 = arith.addi %mul3A_544, %add3A_545 : i32
      %mul3A_547 = arith.constant 32 : i32
      %mul3A_548 = arith.muli %add3A_546, %mul3A_547 : i32
      %add3A_549 = arith.addi %mul3A_548, %add3A : i32
      %mul3A_550 = arith.constant 1024 : i32
      %mul3A_551 = arith.muli %add3A_549, %mul3A_550 : i32
      %dma_start3A_552 = arith.constant 0 : i32
      %dma_start3A_553 = tpu.memref_slice %arg10[%dma_start3A_552] : memref<8192xf32, #tpu.memory_space<vmem>> -> memref<1024xf32, #tpu.memory_space<vmem>>
      %dma_start3A_554 = tpu.memref_slice %arg4[%mul3A_460] : memref<26214400xf32, #tpu.memory_space<hbm>> -> memref<1024xf32, #tpu.memory_space<hbm>>
      %dma_start3A_555 = tpu.memref_slice %arg4[%mul3A_460] : memref<26214400xf32, #tpu.memory_space<hbm>> -> memref<1024xf32, #tpu.memory_space<hbm>>
      %dma_start3A_556 = arith.constant 0 : i32
      %dma_start3A_557 = tpu.memref_slice %arg10[%dma_start3A_556] : memref<8192xf32, #tpu.memory_space<vmem>> -> memref<1024xf32, #tpu.memory_space<vmem>>
      tpu.enqueue_dma source(%dma_start3A_557 : memref<1024xf32, #tpu.memory_space<vmem>>) target(%dma_start3A_555 : memref<1024xf32, #tpu.memory_space<hbm>>) target_semaphore(%arg14 : memref<!tpu.dma_semaphore, #tpu.memory_space<semaphore_mem>>)
      %dma_start3A_558 = arith.constant 1024 : i32
      %dma_start3A_559 = tpu.memref_slice %arg10[%dma_start3A_558] : memref<8192xf32, #tpu.memory_space<vmem>> -> memref<1024xf32, #tpu.memory_space<vmem>>
      %dma_start3A_560 = tpu.memref_slice %arg4[%mul3A_473] : memref<26214400xf32, #tpu.memory_space<hbm>> -> memref<1024xf32, #tpu.memory_space<hbm>>
      %dma_start3A_561 = tpu.memref_slice %arg4[%mul3A_473] : memref<26214400xf32, #tpu.memory_space<hbm>> -> memref<1024xf32, #tpu.memory_space<hbm>>
      %dma_start3A_562 = arith.constant 1024 : i32
      %dma_start3A_563 = tpu.memref_slice %arg10[%dma_start3A_562] : memref<8192xf32, #tpu.memory_space<vmem>> -> memref<1024xf32, #tpu.memory_space<vmem>>
      tpu.enqueue_dma source(%dma_start3A_563 : memref<1024xf32, #tpu.memory_space<vmem>>) target(%dma_start3A_561 : memref<1024xf32, #tpu.memory_space<hbm>>) target_semaphore(%arg14 : memref<!tpu.dma_semaphore, #tpu.memory_space<semaphore_mem>>)
      %dma_start3A_564 = arith.constant 2048 : i32
      %dma_start3A_565 = tpu.memref_slice %arg10[%dma_start3A_564] : memref<8192xf32, #tpu.memory_space<vmem>> -> memref<1024xf32, #tpu.memory_space<vmem>>
      %dma_start3A_566 = tpu.memref_slice %arg4[%mul3A_486] : memref<26214400xf32, #tpu.memory_space<hbm>> -> memref<1024xf32, #tpu.memory_space<hbm>>
      %dma_start3A_567 = tpu.memref_slice %arg4[%mul3A_486] : memref<26214400xf32, #tpu.memory_space<hbm>> -> memref<1024xf32, #tpu.memory_space<hbm>>
      %dma_start3A_568 = arith.constant 2048 : i32
      %dma_start3A_569 = tpu.memref_slice %arg10[%dma_start3A_568] : memref<8192xf32, #tpu.memory_space<vmem>> -> memref<1024xf32, #tpu.memory_space<vmem>>
      tpu.enqueue_dma source(%dma_start3A_569 : memref<1024xf32, #tpu.memory_space<vmem>>) target(%dma_start3A_567 : memref<1024xf32, #tpu.memory_space<hbm>>) target_semaphore(%arg14 : memref<!tpu.dma_semaphore, #tpu.memory_space<semaphore_mem>>)
      %dma_start3A_570 = arith.constant 3072 : i32
      %dma_start3A_571 = tpu.memref_slice %arg10[%dma_start3A_570] : memref<8192xf32, #tpu.memory_space<vmem>> -> memref<1024xf32, #tpu.memory_space<vmem>>
      %dma_start3A_572 = tpu.memref_slice %arg4[%mul3A_499] : memref<26214400xf32, #tpu.memory_space<hbm>> -> memref<1024xf32, #tpu.memory_space<hbm>>
      %dma_start3A_573 = tpu.memref_slice %arg4[%mul3A_499] : memref<26214400xf32, #tpu.memory_space<hbm>> -> memref<1024xf32, #tpu.memory_space<hbm>>
      %dma_start3A_574 = arith.constant 3072 : i32
      %dma_start3A_575 = tpu.memref_slice %arg10[%dma_start3A_574] : memref<8192xf32, #tpu.memory_space<vmem>> -> memref<1024xf32, #tpu.memory_space<vmem>>
      tpu.enqueue_dma source(%dma_start3A_575 : memref<1024xf32, #tpu.memory_space<vmem>>) target(%dma_start3A_573 : memref<1024xf32, #tpu.memory_space<hbm>>) target_semaphore(%arg14 : memref<!tpu.dma_semaphore, #tpu.memory_space<semaphore_mem>>)
      %dma_start3A_576 = arith.constant 4096 : i32
      %dma_start3A_577 = tpu.memref_slice %arg10[%dma_start3A_576] : memref<8192xf32, #tpu.memory_space<vmem>> -> memref<1024xf32, #tpu.memory_space<vmem>>
      %dma_start3A_578 = tpu.memref_slice %arg4[%mul3A_512] : memref<26214400xf32, #tpu.memory_space<hbm>> -> memref<1024xf32, #tpu.memory_space<hbm>>
      %dma_start3A_579 = tpu.memref_slice %arg4[%mul3A_512] : memref<26214400xf32, #tpu.memory_space<hbm>> -> memref<1024xf32, #tpu.memory_space<hbm>>
      %dma_start3A_580 = arith.constant 4096 : i32
      %dma_start3A_581 = tpu.memref_slice %arg10[%dma_start3A_580] : memref<8192xf32, #tpu.memory_space<vmem>> -> memref<1024xf32, #tpu.memory_space<vmem>>
      tpu.enqueue_dma source(%dma_start3A_581 : memref<1024xf32, #tpu.memory_space<vmem>>) target(%dma_start3A_579 : memref<1024xf32, #tpu.memory_space<hbm>>) target_semaphore(%arg14 : memref<!tpu.dma_semaphore, #tpu.memory_space<semaphore_mem>>)
      %dma_start3A_582 = arith.constant 5120 : i32
      %dma_start3A_583 = tpu.memref_slice %arg10[%dma_start3A_582] : memref<8192xf32, #tpu.memory_space<vmem>> -> memref<1024xf32, #tpu.memory_space<vmem>>
      %dma_start3A_584 = tpu.memref_slice %arg4[%mul3A_525] : memref<26214400xf32, #tpu.memory_space<hbm>> -> memref<1024xf32, #tpu.memory_space<hbm>>
      %dma_start3A_585 = tpu.memref_slice %arg4[%mul3A_525] : memref<26214400xf32, #tpu.memory_space<hbm>> -> memref<1024xf32, #tpu.memory_space<hbm>>
      %dma_start3A_586 = arith.constant 5120 : i32
      %dma_start3A_587 = tpu.memref_slice %arg10[%dma_start3A_586] : memref<8192xf32, #tpu.memory_space<vmem>> -> memref<1024xf32, #tpu.memory_space<vmem>>
      tpu.enqueue_dma source(%dma_start3A_587 : memref<1024xf32, #tpu.memory_space<vmem>>) target(%dma_start3A_585 : memref<1024xf32, #tpu.memory_space<hbm>>) target_semaphore(%arg14 : memref<!tpu.dma_semaphore, #tpu.memory_space<semaphore_mem>>)
      %dma_start3A_588 = arith.constant 6144 : i32
      %dma_start3A_589 = tpu.memref_slice %arg10[%dma_start3A_588] : memref<8192xf32, #tpu.memory_space<vmem>> -> memref<1024xf32, #tpu.memory_space<vmem>>
      %dma_start3A_590 = tpu.memref_slice %arg4[%mul3A_538] : memref<26214400xf32, #tpu.memory_space<hbm>> -> memref<1024xf32, #tpu.memory_space<hbm>>
      %dma_start3A_591 = tpu.memref_slice %arg4[%mul3A_538] : memref<26214400xf32, #tpu.memory_space<hbm>> -> memref<1024xf32, #tpu.memory_space<hbm>>
      %dma_start3A_592 = arith.constant 6144 : i32
      %dma_start3A_593 = tpu.memref_slice %arg10[%dma_start3A_592] : memref<8192xf32, #tpu.memory_space<vmem>> -> memref<1024xf32, #tpu.memory_space<vmem>>
      tpu.enqueue_dma source(%dma_start3A_593 : memref<1024xf32, #tpu.memory_space<vmem>>) target(%dma_start3A_591 : memref<1024xf32, #tpu.memory_space<hbm>>) target_semaphore(%arg14 : memref<!tpu.dma_semaphore, #tpu.memory_space<semaphore_mem>>)
      %dma_start3A_594 = arith.constant 7168 : i32
      %dma_start3A_595 = tpu.memref_slice %arg10[%dma_start3A_594] : memref<8192xf32, #tpu.memory_space<vmem>> -> memref<1024xf32, #tpu.memory_space<vmem>>
      %dma_start3A_596 = tpu.memref_slice %arg4[%mul3A_551] : memref<26214400xf32, #tpu.memory_space<hbm>> -> memref<1024xf32, #tpu.memory_space<hbm>>
      %dma_start3A_597 = tpu.memref_slice %arg4[%mul3A_551] : memref<26214400xf32, #tpu.memory_space<hbm>> -> memref<1024xf32, #tpu.memory_space<hbm>>
      %dma_start3A_598 = arith.constant 7168 : i32
      %dma_start3A_599 = tpu.memref_slice %arg10[%dma_start3A_598] : memref<8192xf32, #tpu.memory_space<vmem>> -> memref<1024xf32, #tpu.memory_space<vmem>>
      tpu.enqueue_dma source(%dma_start3A_599 : memref<1024xf32, #tpu.memory_space<vmem>>) target(%dma_start3A_597 : memref<1024xf32, #tpu.memory_space<hbm>>) target_semaphore(%arg14 : memref<!tpu.dma_semaphore, #tpu.memory_space<semaphore_mem>>)
      %mul3A_600 = arith.constant 2 : i32
      %mul3A_601 = arith.muli %scan3A_314, %mul3A_600 : i32
      %add3A_602 = arith.constant 1 : i32
      %add3A_603 = arith.addi %mul3A_601, %add3A_602 : i32
      %lt3A = arith.constant 49 : i32
      %lt3A_604 = arith.cmpi slt, %scan3A_314, %lt3A : i32
      %convert_element_type3A_605 = arith.extui %lt3A_604 : i1 to i32
      %cond3A_606 = arith.constant 0 : i32
      %cond3A_607 = arith.cmpi ne, %convert_element_type3A_605, %cond3A_606 : i32
      scf.if %cond3A_607 {
        %add3A_774 = arith.constant 1 : i32
        %add3A_775 = arith.addi %add3A_603, %add3A_774 : i32
        %mul3A_776 = arith.constant 2 : i32
        %mul3A_777 = arith.muli %add3A_775, %mul3A_776 : i32
        %add3A_778 = arith.constant 0 : i32
        %add3A_779 = arith.addi %mul3A_777, %add3A_778 : i32
        %add3A_780 = vector.broadcast %add3A_779 : i32 to vector<16xi32>
        %add3A_781 = arith.addi %add3A_8, %add3A_780 : vector<16xi32>
        %gather3A_782 = tpu.vector_load_idx %arg5[%add3A_781] : memref<25600xi32, #tpu.memory_space<vmem>>[vector<16xi32>], vector<16xi32>,
        %swap3A_783 = arith.constant 0 : index
        %swap3A_784 = tpu.vector_load %arg6[%swap3A_783] {strides = array<i32>} : memref<256xi32, #tpu.memory_space<vmem>>, vector<16xi32>,
        tpu.vector_store %arg6[%swap3A_783], %gather3A_782 {strides = array<i32>} : memref<256xi32, #tpu.memory_space<vmem>>, vector<16xi32>,
        %add3A_785 = arith.constant 0 : i32
        %add3A_786 = arith.addi %mul3A_777, %add3A_785 : i32
        %add3A_787 = vector.broadcast %add3A_786 : i32 to vector<16xi32>
        %add3A_788 = arith.addi %add3A_14, %add3A_787 : vector<16xi32>
        %gather3A_789 = tpu.vector_load_idx %arg5[%add3A_788] : memref<25600xi32, #tpu.memory_space<vmem>>[vector<16xi32>], vector<16xi32>,
        %swap3A_790 = arith.constant 16 : index
        %swap3A_791 = tpu.vector_load %arg6[%swap3A_790] {strides = array<i32>} : memref<256xi32, #tpu.memory_space<vmem>>, vector<16xi32>,
        tpu.vector_store %arg6[%swap3A_790], %gather3A_789 {strides = array<i32>} : memref<256xi32, #tpu.memory_space<vmem>>, vector<16xi32>,
        %add3A_792 = arith.constant 0 : i32
        %add3A_793 = arith.addi %mul3A_777, %add3A_792 : i32
        %add3A_794 = vector.broadcast %add3A_793 : i32 to vector<16xi32>
        %add3A_795 = arith.addi %add3A_20, %add3A_794 : vector<16xi32>
        %gather3A_796 = tpu.vector_load_idx %arg5[%add3A_795] : memref<25600xi32, #tpu.memory_space<vmem>>[vector<16xi32>], vector<16xi32>,
        %swap3A_797 = arith.constant 32 : index
        %swap3A_798 = tpu.vector_load %arg6[%swap3A_797] {strides = array<i32>} : memref<256xi32, #tpu.memory_space<vmem>>, vector<16xi32>,
        tpu.vector_store %arg6[%swap3A_797], %gather3A_796 {strides = array<i32>} : memref<256xi32, #tpu.memory_space<vmem>>, vector<16xi32>,
        %add3A_799 = arith.constant 0 : i32
        %add3A_800 = arith.addi %mul3A_777, %add3A_799 : i32
        %add3A_801 = vector.broadcast %add3A_800 : i32 to vector<16xi32>
        %add3A_802 = arith.addi %add3A_26, %add3A_801 : vector<16xi32>
        %gather3A_803 = tpu.vector_load_idx %arg5[%add3A_802] : memref<25600xi32, #tpu.memory_space<vmem>>[vector<16xi32>], vector<16xi32>,
        %swap3A_804 = arith.constant 48 : index
        %swap3A_805 = tpu.vector_load %arg6[%swap3A_804] {strides = array<i32>} : memref<256xi32, #tpu.memory_space<vmem>>, vector<16xi32>,
        tpu.vector_store %arg6[%swap3A_804], %gather3A_803 {strides = array<i32>} : memref<256xi32, #tpu.memory_space<vmem>>, vector<16xi32>,
        %add3A_806 = arith.constant 0 : i32
        %add3A_807 = arith.addi %mul3A_777, %add3A_806 : i32
        %add3A_808 = vector.broadcast %add3A_807 : i32 to vector<16xi32>
        %add3A_809 = arith.addi %add3A_32, %add3A_808 : vector<16xi32>
        %gather3A_810 = tpu.vector_load_idx %arg5[%add3A_809] : memref<25600xi32, #tpu.memory_space<vmem>>[vector<16xi32>], vector<16xi32>,
        %swap3A_811 = arith.constant 64 : index
        %swap3A_812 = tpu.vector_load %arg6[%swap3A_811] {strides = array<i32>} : memref<256xi32, #tpu.memory_space<vmem>>, vector<16xi32>,
        tpu.vector_store %arg6[%swap3A_811], %gather3A_810 {strides = array<i32>} : memref<256xi32, #tpu.memory_space<vmem>>, vector<16xi32>,
        %add3A_813 = arith.constant 0 : i32
        %add3A_814 = arith.addi %mul3A_777, %add3A_813 : i32
        %add3A_815 = vector.broadcast %add3A_814 : i32 to vector<16xi32>
        %add3A_816 = arith.addi %add3A_38, %add3A_815 : vector<16xi32>
        %gather3A_817 = tpu.vector_load_idx %arg5[%add3A_816] : memref<25600xi32, #tpu.memory_space<vmem>>[vector<16xi32>], vector<16xi32>,
        %swap3A_818 = arith.constant 80 : index
        %swap3A_819 = tpu.vector_load %arg6[%swap3A_818] {strides = array<i32>} : memref<256xi32, #tpu.memory_space<vmem>>, vector<16xi32>,
        tpu.vector_store %arg6[%swap3A_818], %gather3A_817 {strides = array<i32>} : memref<256xi32, #tpu.memory_space<vmem>>, vector<16xi32>,
        %add3A_820 = arith.constant 0 : i32
        %add3A_821 = arith.addi %mul3A_777, %add3A_820 : i32
        %add3A_822 = vector.broadcast %add3A_821 : i32 to vector<16xi32>
        %add3A_823 = arith.addi %add3A_44, %add3A_822 : vector<16xi32>
        %gather3A_824 = tpu.vector_load_idx %arg5[%add3A_823] : memref<25600xi32, #tpu.memory_space<vmem>>[vector<16xi32>], vector<16xi32>,
        %swap3A_825 = arith.constant 96 : index
        %swap3A_826 = tpu.vector_load %arg6[%swap3A_825] {strides = array<i32>} : memref<256xi32, #tpu.memory_space<vmem>>, vector<16xi32>,
        tpu.vector_store %arg6[%swap3A_825], %gather3A_824 {strides = array<i32>} : memref<256xi32, #tpu.memory_space<vmem>>, vector<16xi32>,
        %add3A_827 = arith.constant 0 : i32
        %add3A_828 = arith.addi %mul3A_777, %add3A_827 : i32
        %add3A_829 = vector.broadcast %add3A_828 : i32 to vector<16xi32>
        %add3A_830 = arith.addi %add3A_50, %add3A_829 : vector<16xi32>
        %gather3A_831 = tpu.vector_load_idx %arg5[%add3A_830] : memref<25600xi32, #tpu.memory_space<vmem>>[vector<16xi32>], vector<16xi32>,
        %swap3A_832 = arith.constant 112 : index
        %swap3A_833 = tpu.vector_load %arg6[%swap3A_832] {strides = array<i32>} : memref<256xi32, #tpu.memory_space<vmem>>, vector<16xi32>,
        tpu.vector_store %arg6[%swap3A_832], %gather3A_831 {strides = array<i32>} : memref<256xi32, #tpu.memory_space<vmem>>, vector<16xi32>,
        %add3A_834 = arith.constant 1 : i32
        %add3A_835 = arith.addi %mul3A_777, %add3A_834 : i32
        %add3A_836 = vector.broadcast %add3A_835 : i32 to vector<16xi32>
        %add3A_837 = arith.addi %add3A_8, %add3A_836 : vector<16xi32>
        %gather3A_838 = tpu.vector_load_idx %arg5[%add3A_837] : memref<25600xi32, #tpu.memory_space<vmem>>[vector<16xi32>], vector<16xi32>,
        %swap3A_839 = arith.constant 128 : index
        %swap3A_840 = tpu.vector_load %arg6[%swap3A_839] {strides = array<i32>} : memref<256xi32, #tpu.memory_space<vmem>>, vector<16xi32>,
        tpu.vector_store %arg6[%swap3A_839], %gather3A_838 {strides = array<i32>} : memref<256xi32, #tpu.memory_space<vmem>>, vector<16xi32>,
        %add3A_841 = arith.constant 1 : i32
        %add3A_842 = arith.addi %mul3A_777, %add3A_841 : i32
        %add3A_843 = vector.broadcast %add3A_842 : i32 to vector<16xi32>
        %add3A_844 = arith.addi %add3A_14, %add3A_843 : vector<16xi32>
        %gather3A_845 = tpu.vector_load_idx %arg5[%add3A_844] : memref<25600xi32, #tpu.memory_space<vmem>>[vector<16xi32>], vector<16xi32>,
        %swap3A_846 = arith.constant 144 : index
        %swap3A_847 = tpu.vector_load %arg6[%swap3A_846] {strides = array<i32>} : memref<256xi32, #tpu.memory_space<vmem>>, vector<16xi32>,
        tpu.vector_store %arg6[%swap3A_846], %gather3A_845 {strides = array<i32>} : memref<256xi32, #tpu.memory_space<vmem>>, vector<16xi32>,
        %add3A_848 = arith.constant 1 : i32
        %add3A_849 = arith.addi %mul3A_777, %add3A_848 : i32
        %add3A_850 = vector.broadcast %add3A_849 : i32 to vector<16xi32>
        %add3A_851 = arith.addi %add3A_20, %add3A_850 : vector<16xi32>
        %gather3A_852 = tpu.vector_load_idx %arg5[%add3A_851] : memref<25600xi32, #tpu.memory_space<vmem>>[vector<16xi32>], vector<16xi32>,
        %swap3A_853 = arith.constant 160 : index
        %swap3A_854 = tpu.vector_load %arg6[%swap3A_853] {strides = array<i32>} : memref<256xi32, #tpu.memory_space<vmem>>, vector<16xi32>,
        tpu.vector_store %arg6[%swap3A_853], %gather3A_852 {strides = array<i32>} : memref<256xi32, #tpu.memory_space<vmem>>, vector<16xi32>,
        %add3A_855 = arith.constant 1 : i32
        %add3A_856 = arith.addi %mul3A_777, %add3A_855 : i32
        %add3A_857 = vector.broadcast %add3A_856 : i32 to vector<16xi32>
        %add3A_858 = arith.addi %add3A_26, %add3A_857 : vector<16xi32>
        %gather3A_859 = tpu.vector_load_idx %arg5[%add3A_858] : memref<25600xi32, #tpu.memory_space<vmem>>[vector<16xi32>], vector<16xi32>,
        %swap3A_860 = arith.constant 176 : index
        %swap3A_861 = tpu.vector_load %arg6[%swap3A_860] {strides = array<i32>} : memref<256xi32, #tpu.memory_space<vmem>>, vector<16xi32>,
        tpu.vector_store %arg6[%swap3A_860], %gather3A_859 {strides = array<i32>} : memref<256xi32, #tpu.memory_space<vmem>>, vector<16xi32>,
        %add3A_862 = arith.constant 1 : i32
        %add3A_863 = arith.addi %mul3A_777, %add3A_862 : i32
        %add3A_864 = vector.broadcast %add3A_863 : i32 to vector<16xi32>
        %add3A_865 = arith.addi %add3A_32, %add3A_864 : vector<16xi32>
        %gather3A_866 = tpu.vector_load_idx %arg5[%add3A_865] : memref<25600xi32, #tpu.memory_space<vmem>>[vector<16xi32>], vector<16xi32>,
        %swap3A_867 = arith.constant 192 : index
        %swap3A_868 = tpu.vector_load %arg6[%swap3A_867] {strides = array<i32>} : memref<256xi32, #tpu.memory_space<vmem>>, vector<16xi32>,
        tpu.vector_store %arg6[%swap3A_867], %gather3A_866 {strides = array<i32>} : memref<256xi32, #tpu.memory_space<vmem>>, vector<16xi32>,
        %add3A_869 = arith.constant 1 : i32
        %add3A_870 = arith.addi %mul3A_777, %add3A_869 : i32
        %add3A_871 = vector.broadcast %add3A_870 : i32 to vector<16xi32>
        %add3A_872 = arith.addi %add3A_38, %add3A_871 : vector<16xi32>
        %gather3A_873 = tpu.vector_load_idx %arg5[%add3A_872] : memref<25600xi32, #tpu.memory_space<vmem>>[vector<16xi32>], vector<16xi32>,
        %swap3A_874 = arith.constant 208 : index
        %swap3A_875 = tpu.vector_load %arg6[%swap3A_874] {strides = array<i32>} : memref<256xi32, #tpu.memory_space<vmem>>, vector<16xi32>,
        tpu.vector_store %arg6[%swap3A_874], %gather3A_873 {strides = array<i32>} : memref<256xi32, #tpu.memory_space<vmem>>, vector<16xi32>,
        %add3A_876 = arith.constant 1 : i32
        %add3A_877 = arith.addi %mul3A_777, %add3A_876 : i32
        %add3A_878 = vector.broadcast %add3A_877 : i32 to vector<16xi32>
        %add3A_879 = arith.addi %add3A_44, %add3A_878 : vector<16xi32>
        %gather3A_880 = tpu.vector_load_idx %arg5[%add3A_879] : memref<25600xi32, #tpu.memory_space<vmem>>[vector<16xi32>], vector<16xi32>,
        %swap3A_881 = arith.constant 224 : index
        %swap3A_882 = tpu.vector_load %arg6[%swap3A_881] {strides = array<i32>} : memref<256xi32, #tpu.memory_space<vmem>>, vector<16xi32>,
        tpu.vector_store %arg6[%swap3A_881], %gather3A_880 {strides = array<i32>} : memref<256xi32, #tpu.memory_space<vmem>>, vector<16xi32>,
        %add3A_883 = arith.constant 1 : i32
        %add3A_884 = arith.addi %mul3A_777, %add3A_883 : i32
        %add3A_885 = vector.broadcast %add3A_884 : i32 to vector<16xi32>
        %add3A_886 = arith.addi %add3A_50, %add3A_885 : vector<16xi32>
        %gather3A_887 = tpu.vector_load_idx %arg5[%add3A_886] : memref<25600xi32, #tpu.memory_space<vmem>>[vector<16xi32>], vector<16xi32>,
        %swap3A_888 = arith.constant 240 : index
        %swap3A_889 = tpu.vector_load %arg6[%swap3A_888] {strides = array<i32>} : memref<256xi32, #tpu.memory_space<vmem>>, vector<16xi32>,
        tpu.vector_store %arg6[%swap3A_888], %gather3A_887 {strides = array<i32>} : memref<256xi32, #tpu.memory_space<vmem>>, vector<16xi32>,
        %dma_start3A_890 = arith.constant 0 : i32
        %dma_start3A_891 = arith.constant 0 : i32
        %dma_start3A_892 = tpu.memref_slice %arg3[%dma_start3A_890, %dma_start3A_891] : memref<1000000x32xf32, #tpu.memory_space<hbm>> -> memref<1000000x32xf32, #tpu.memory_space<hbm>>
        tpu.enqueue_indirect_dma source(%dma_start3A_892 : memref<1000000x32xf32, #tpu.memory_space<hbm>>) target(%arg8 : memref<256x32xf32, #tpu.memory_space<vmem>>) offsets(%arg6 : memref<256xi32, #tpu.memory_space<vmem>>) semaphore(%arg12 : memref<!tpu.dma_semaphore, #tpu.memory_space<semaphore_mem>>)
      } else {
      }
      %dma_wait3A_608 = arith.constant 0 : i32
      %dma_wait3A_609 = arith.constant 0 : i32
      %dma_wait3A_610 = tpu.memref_slice %arg3[%dma_wait3A_608, %dma_wait3A_609] : memref<1000000x32xf32, #tpu.memory_space<hbm>> -> memref<1000000x32xf32, #tpu.memory_space<hbm>>
      tpu.wait_indirect_dma semaphore(%arg13 : memref<!tpu.dma_semaphore, #tpu.memory_space<semaphore_mem>>) src(%dma_wait3A_610 : memref<1000000x32xf32, #tpu.memory_space<hbm>>) dst(%arg9 : memref<256x32xf32, #tpu.memory_space<vmem>>)
      %ge3A_611 = arith.constant 1 : i32
      %ge3A_612 = arith.cmpi sge, %scan3A_314, %ge3A_611 : i32
      %convert_element_type3A_613 = arith.extui %ge3A_612 : i1 to i32
      %cond3A_614 = arith.constant 0 : i32
      %cond3A_615 = arith.cmpi ne, %convert_element_type3A_613, %cond3A_614 : i32
      scf.if %cond3A_615 {
        %sub3A = arith.constant 2 : i32
        %sub3A_774 = arith.subi %add3A_603, %sub3A : i32
        %mul3A_775 = arith.constant 2 : i32
        %mul3A_776 = arith.muli %sub3A_774, %mul3A_775 : i32
        %add3A_777 = arith.constant 0 : i32
        %add3A_778 = arith.addi %mul3A_776, %add3A_777 : i32
        %mul3A_779 = arith.constant 4 : i32
        %mul3A_780 = arith.muli %add3A_778, %mul3A_779 : i32
        %add3A_781 = arith.constant 0 : i32
        %add3A_782 = arith.addi %mul3A_780, %add3A_781 : i32
        %mul3A_783 = arith.constant 32 : i32
        %mul3A_784 = arith.muli %add3A_782, %mul3A_783 : i32
        %add3A_785 = arith.addi %mul3A_784, %add3A : i32
        %mul3A_786 = arith.constant 1024 : i32
        %mul3A_787 = arith.muli %add3A_785, %mul3A_786 : i32
        %mul3A_788 = arith.constant 2 : i32
        %mul3A_789 = arith.muli %sub3A_774, %mul3A_788 : i32
        %add3A_790 = arith.constant 0 : i32
        %add3A_791 = arith.addi %mul3A_789, %add3A_790 : i32
        %mul3A_792 = arith.constant 4 : i32
        %mul3A_793 = arith.muli %add3A_791, %mul3A_792 : i32
        %add3A_794 = arith.constant 1 : i32
        %add3A_795 = arith.addi %mul3A_793, %add3A_794 : i32
        %mul3A_796 = arith.constant 32 : i32
        %mul3A_797 = arith.muli %add3A_795, %mul3A_796 : i32
        %add3A_798 = arith.addi %mul3A_797, %add3A : i32
        %mul3A_799 = arith.constant 1024 : i32
        %mul3A_800 = arith.muli %add3A_798, %mul3A_799 : i32
        %mul3A_801 = arith.constant 2 : i32
        %mul3A_802 = arith.muli %sub3A_774, %mul3A_801 : i32
        %add3A_803 = arith.constant 0 : i32
        %add3A_804 = arith.addi %mul3A_802, %add3A_803 : i32
        %mul3A_805 = arith.constant 4 : i32
        %mul3A_806 = arith.muli %add3A_804, %mul3A_805 : i32
        %add3A_807 = arith.constant 2 : i32
        %add3A_808 = arith.addi %mul3A_806, %add3A_807 : i32
        %mul3A_809 = arith.constant 32 : i32
        %mul3A_810 = arith.muli %add3A_808, %mul3A_809 : i32
        %add3A_811 = arith.addi %mul3A_810, %add3A : i32
        %mul3A_812 = arith.constant 1024 : i32
        %mul3A_813 = arith.muli %add3A_811, %mul3A_812 : i32
        %mul3A_814 = arith.constant 2 : i32
        %mul3A_815 = arith.muli %sub3A_774, %mul3A_814 : i32
        %add3A_816 = arith.constant 0 : i32
        %add3A_817 = arith.addi %mul3A_815, %add3A_816 : i32
        %mul3A_818 = arith.constant 4 : i32
        %mul3A_819 = arith.muli %add3A_817, %mul3A_818 : i32
        %add3A_820 = arith.constant 3 : i32
        %add3A_821 = arith.addi %mul3A_819, %add3A_820 : i32
        %mul3A_822 = arith.constant 32 : i32
        %mul3A_823 = arith.muli %add3A_821, %mul3A_822 : i32
        %add3A_824 = arith.addi %mul3A_823, %add3A : i32
        %mul3A_825 = arith.constant 1024 : i32
        %mul3A_826 = arith.muli %add3A_824, %mul3A_825 : i32
        %mul3A_827 = arith.constant 2 : i32
        %mul3A_828 = arith.muli %sub3A_774, %mul3A_827 : i32
        %add3A_829 = arith.constant 1 : i32
        %add3A_830 = arith.addi %mul3A_828, %add3A_829 : i32
        %mul3A_831 = arith.constant 4 : i32
        %mul3A_832 = arith.muli %add3A_830, %mul3A_831 : i32
        %add3A_833 = arith.constant 0 : i32
        %add3A_834 = arith.addi %mul3A_832, %add3A_833 : i32
        %mul3A_835 = arith.constant 32 : i32
        %mul3A_836 = arith.muli %add3A_834, %mul3A_835 : i32
        %add3A_837 = arith.addi %mul3A_836, %add3A : i32
        %mul3A_838 = arith.constant 1024 : i32
        %mul3A_839 = arith.muli %add3A_837, %mul3A_838 : i32
        %mul3A_840 = arith.constant 2 : i32
        %mul3A_841 = arith.muli %sub3A_774, %mul3A_840 : i32
        %add3A_842 = arith.constant 1 : i32
        %add3A_843 = arith.addi %mul3A_841, %add3A_842 : i32
        %mul3A_844 = arith.constant 4 : i32
        %mul3A_845 = arith.muli %add3A_843, %mul3A_844 : i32
        %add3A_846 = arith.constant 1 : i32
        %add3A_847 = arith.addi %mul3A_845, %add3A_846 : i32
        %mul3A_848 = arith.constant 32 : i32
        %mul3A_849 = arith.muli %add3A_847, %mul3A_848 : i32
        %add3A_850 = arith.addi %mul3A_849, %add3A : i32
        %mul3A_851 = arith.constant 1024 : i32
        %mul3A_852 = arith.muli %add3A_850, %mul3A_851 : i32
        %mul3A_853 = arith.constant 2 : i32
        %mul3A_854 = arith.muli %sub3A_774, %mul3A_853 : i32
        %add3A_855 = arith.constant 1 : i32
        %add3A_856 = arith.addi %mul3A_854, %add3A_855 : i32
        %mul3A_857 = arith.constant 4 : i32
        %mul3A_858 = arith.muli %add3A_856, %mul3A_857 : i32
        %add3A_859 = arith.constant 2 : i32
        %add3A_860 = arith.addi %mul3A_858, %add3A_859 : i32
        %mul3A_861 = arith.constant 32 : i32
        %mul3A_862 = arith.muli %add3A_860, %mul3A_861 : i32
        %add3A_863 = arith.addi %mul3A_862, %add3A : i32
        %mul3A_864 = arith.constant 1024 : i32
        %mul3A_865 = arith.muli %add3A_863, %mul3A_864 : i32
        %mul3A_866 = arith.constant 2 : i32
        %mul3A_867 = arith.muli %sub3A_774, %mul3A_866 : i32
        %add3A_868 = arith.constant 1 : i32
        %add3A_869 = arith.addi %mul3A_867, %add3A_868 : i32
        %mul3A_870 = arith.constant 4 : i32
        %mul3A_871 = arith.muli %add3A_869, %mul3A_870 : i32
        %add3A_872 = arith.constant 3 : i32
        %add3A_873 = arith.addi %mul3A_871, %add3A_872 : i32
        %mul3A_874 = arith.constant 32 : i32
        %mul3A_875 = arith.muli %add3A_873, %mul3A_874 : i32
        %add3A_876 = arith.addi %mul3A_875, %add3A : i32
        %mul3A_877 = arith.constant 1024 : i32
        %mul3A_878 = arith.muli %add3A_876, %mul3A_877 : i32
        %dma_wait3A_879 = arith.constant 0 : i32
        %dma_wait3A_880 = tpu.memref_slice %arg11[%dma_wait3A_879] : memref<8192xf32, #tpu.memory_space<vmem>> -> memref<1024xf32, #tpu.memory_space<vmem>>
        %dma_wait3A_881 = tpu.memref_slice %arg4[%mul3A_787] : memref<26214400xf32, #tpu.memory_space<hbm>> -> memref<1024xf32, #tpu.memory_space<hbm>>
        %dma_wait3A_882 = tpu.memref_slice %arg4[%mul3A_787] : memref<26214400xf32, #tpu.memory_space<hbm>> -> memref<1024xf32, #tpu.memory_space<hbm>>
        %dma_wait3A_883 = arith.constant 0 : i32
        %dma_wait3A_884 = tpu.memref_slice %arg11[%dma_wait3A_883] : memref<8192xf32, #tpu.memory_space<vmem>> -> memref<1024xf32, #tpu.memory_space<vmem>>
        tpu.wait_dma2 semaphore(%arg15 : memref<!tpu.dma_semaphore, #tpu.memory_space<semaphore_mem>>) src(%dma_wait3A_884 : memref<1024xf32, #tpu.memory_space<vmem>>) dst(%dma_wait3A_882 : memref<1024xf32, #tpu.memory_space<hbm>>)
        %dma_wait3A_885 = arith.constant 1024 : i32
        %dma_wait3A_886 = tpu.memref_slice %arg11[%dma_wait3A_885] : memref<8192xf32, #tpu.memory_space<vmem>> -> memref<1024xf32, #tpu.memory_space<vmem>>
        %dma_wait3A_887 = tpu.memref_slice %arg4[%mul3A_800] : memref<26214400xf32, #tpu.memory_space<hbm>> -> memref<1024xf32, #tpu.memory_space<hbm>>
        %dma_wait3A_888 = tpu.memref_slice %arg4[%mul3A_800] : memref<26214400xf32, #tpu.memory_space<hbm>> -> memref<1024xf32, #tpu.memory_space<hbm>>
        %dma_wait3A_889 = arith.constant 1024 : i32
        %dma_wait3A_890 = tpu.memref_slice %arg11[%dma_wait3A_889] : memref<8192xf32, #tpu.memory_space<vmem>> -> memref<1024xf32, #tpu.memory_space<vmem>>
        tpu.wait_dma2 semaphore(%arg15 : memref<!tpu.dma_semaphore, #tpu.memory_space<semaphore_mem>>) src(%dma_wait3A_890 : memref<1024xf32, #tpu.memory_space<vmem>>) dst(%dma_wait3A_888 : memref<1024xf32, #tpu.memory_space<hbm>>)
        %dma_wait3A_891 = arith.constant 2048 : i32
        %dma_wait3A_892 = tpu.memref_slice %arg11[%dma_wait3A_891] : memref<8192xf32, #tpu.memory_space<vmem>> -> memref<1024xf32, #tpu.memory_space<vmem>>
        %dma_wait3A_893 = tpu.memref_slice %arg4[%mul3A_813] : memref<26214400xf32, #tpu.memory_space<hbm>> -> memref<1024xf32, #tpu.memory_space<hbm>>
        %dma_wait3A_894 = tpu.memref_slice %arg4[%mul3A_813] : memref<26214400xf32, #tpu.memory_space<hbm>> -> memref<1024xf32, #tpu.memory_space<hbm>>
        %dma_wait3A_895 = arith.constant 2048 : i32
        %dma_wait3A_896 = tpu.memref_slice %arg11[%dma_wait3A_895] : memref<8192xf32, #tpu.memory_space<vmem>> -> memref<1024xf32, #tpu.memory_space<vmem>>
        tpu.wait_dma2 semaphore(%arg15 : memref<!tpu.dma_semaphore, #tpu.memory_space<semaphore_mem>>) src(%dma_wait3A_896 : memref<1024xf32, #tpu.memory_space<vmem>>) dst(%dma_wait3A_894 : memref<1024xf32, #tpu.memory_space<hbm>>)
        %dma_wait3A_897 = arith.constant 3072 : i32
        %dma_wait3A_898 = tpu.memref_slice %arg11[%dma_wait3A_897] : memref<8192xf32, #tpu.memory_space<vmem>> -> memref<1024xf32, #tpu.memory_space<vmem>>
        %dma_wait3A_899 = tpu.memref_slice %arg4[%mul3A_826] : memref<26214400xf32, #tpu.memory_space<hbm>> -> memref<1024xf32, #tpu.memory_space<hbm>>
        %dma_wait3A_900 = tpu.memref_slice %arg4[%mul3A_826] : memref<26214400xf32, #tpu.memory_space<hbm>> -> memref<1024xf32, #tpu.memory_space<hbm>>
        %dma_wait3A_901 = arith.constant 3072 : i32
        %dma_wait3A_902 = tpu.memref_slice %arg11[%dma_wait3A_901] : memref<8192xf32, #tpu.memory_space<vmem>> -> memref<1024xf32, #tpu.memory_space<vmem>>
        tpu.wait_dma2 semaphore(%arg15 : memref<!tpu.dma_semaphore, #tpu.memory_space<semaphore_mem>>) src(%dma_wait3A_902 : memref<1024xf32, #tpu.memory_space<vmem>>) dst(%dma_wait3A_900 : memref<1024xf32, #tpu.memory_space<hbm>>)
        %dma_wait3A_903 = arith.constant 4096 : i32
        %dma_wait3A_904 = tpu.memref_slice %arg11[%dma_wait3A_903] : memref<8192xf32, #tpu.memory_space<vmem>> -> memref<1024xf32, #tpu.memory_space<vmem>>
        %dma_wait3A_905 = tpu.memref_slice %arg4[%mul3A_839] : memref<26214400xf32, #tpu.memory_space<hbm>> -> memref<1024xf32, #tpu.memory_space<hbm>>
        %dma_wait3A_906 = tpu.memref_slice %arg4[%mul3A_839] : memref<26214400xf32, #tpu.memory_space<hbm>> -> memref<1024xf32, #tpu.memory_space<hbm>>
        %dma_wait3A_907 = arith.constant 4096 : i32
        %dma_wait3A_908 = tpu.memref_slice %arg11[%dma_wait3A_907] : memref<8192xf32, #tpu.memory_space<vmem>> -> memref<1024xf32, #tpu.memory_space<vmem>>
        tpu.wait_dma2 semaphore(%arg15 : memref<!tpu.dma_semaphore, #tpu.memory_space<semaphore_mem>>) src(%dma_wait3A_908 : memref<1024xf32, #tpu.memory_space<vmem>>) dst(%dma_wait3A_906 : memref<1024xf32, #tpu.memory_space<hbm>>)
        %dma_wait3A_909 = arith.constant 5120 : i32
        %dma_wait3A_910 = tpu.memref_slice %arg11[%dma_wait3A_909] : memref<8192xf32, #tpu.memory_space<vmem>> -> memref<1024xf32, #tpu.memory_space<vmem>>
        %dma_wait3A_911 = tpu.memref_slice %arg4[%mul3A_852] : memref<26214400xf32, #tpu.memory_space<hbm>> -> memref<1024xf32, #tpu.memory_space<hbm>>
        %dma_wait3A_912 = tpu.memref_slice %arg4[%mul3A_852] : memref<26214400xf32, #tpu.memory_space<hbm>> -> memref<1024xf32, #tpu.memory_space<hbm>>
        %dma_wait3A_913 = arith.constant 5120 : i32
        %dma_wait3A_914 = tpu.memref_slice %arg11[%dma_wait3A_913] : memref<8192xf32, #tpu.memory_space<vmem>> -> memref<1024xf32, #tpu.memory_space<vmem>>
        tpu.wait_dma2 semaphore(%arg15 : memref<!tpu.dma_semaphore, #tpu.memory_space<semaphore_mem>>) src(%dma_wait3A_914 : memref<1024xf32, #tpu.memory_space<vmem>>) dst(%dma_wait3A_912 : memref<1024xf32, #tpu.memory_space<hbm>>)
        %dma_wait3A_915 = arith.constant 6144 : i32
        %dma_wait3A_916 = tpu.memref_slice %arg11[%dma_wait3A_915] : memref<8192xf32, #tpu.memory_space<vmem>> -> memref<1024xf32, #tpu.memory_space<vmem>>
        %dma_wait3A_917 = tpu.memref_slice %arg4[%mul3A_865] : memref<26214400xf32, #tpu.memory_space<hbm>> -> memref<1024xf32, #tpu.memory_space<hbm>>
        %dma_wait3A_918 = tpu.memref_slice %arg4[%mul3A_865] : memref<26214400xf32, #tpu.memory_space<hbm>> -> memref<1024xf32, #tpu.memory_space<hbm>>
        %dma_wait3A_919 = arith.constant 6144 : i32
        %dma_wait3A_920 = tpu.memref_slice %arg11[%dma_wait3A_919] : memref<8192xf32, #tpu.memory_space<vmem>> -> memref<1024xf32, #tpu.memory_space<vmem>>
        tpu.wait_dma2 semaphore(%arg15 : memref<!tpu.dma_semaphore, #tpu.memory_space<semaphore_mem>>) src(%dma_wait3A_920 : memref<1024xf32, #tpu.memory_space<vmem>>) dst(%dma_wait3A_918 : memref<1024xf32, #tpu.memory_space<hbm>>)
        %dma_wait3A_921 = arith.constant 7168 : i32
        %dma_wait3A_922 = tpu.memref_slice %arg11[%dma_wait3A_921] : memref<8192xf32, #tpu.memory_space<vmem>> -> memref<1024xf32, #tpu.memory_space<vmem>>
        %dma_wait3A_923 = tpu.memref_slice %arg4[%mul3A_878] : memref<26214400xf32, #tpu.memory_space<hbm>> -> memref<1024xf32, #tpu.memory_space<hbm>>
        %dma_wait3A_924 = tpu.memref_slice %arg4[%mul3A_878] : memref<26214400xf32, #tpu.memory_space<hbm>> -> memref<1024xf32, #tpu.memory_space<hbm>>
        %dma_wait3A_925 = arith.constant 7168 : i32
        %dma_wait3A_926 = tpu.memref_slice %arg11[%dma_wait3A_925] : memref<8192xf32, #tpu.memory_space<vmem>> -> memref<1024xf32, #tpu.memory_space<vmem>>
        tpu.wait_dma2 semaphore(%arg15 : memref<!tpu.dma_semaphore, #tpu.memory_space<semaphore_mem>>) src(%dma_wait3A_926 : memref<1024xf32, #tpu.memory_space<vmem>>) dst(%dma_wait3A_924 : memref<1024xf32, #tpu.memory_space<hbm>>)
      } else {
      }
      %parallel_loop3A_616 = arith.constant 0 : i32
      %parallel_loop3A_617 = arith.constant 256 : i32
      %parallel_loop3A_618 = arith.constant 1 : i32
      scf.for %parallel_loop3A_774 = %parallel_loop3A_616 to %parallel_loop3A_617 step %parallel_loop3A_618  : i32 {
        %parallel_loop3A_775 = arith.constant 31 : i32
        %parallel_loop3A_776 = arith.andi %parallel_loop3A_774, %parallel_loop3A_775 : i32
        %parallel_loop3A_777 = arith.constant 5 : i32
        %parallel_loop3A_778 = arith.shrsi %parallel_loop3A_774, %parallel_loop3A_777 : i32
        %parallel_loop3A_779 = arith.constant 4 : i32
        %parallel_loop3A_780 = arith.shli %parallel_loop3A_778, %parallel_loop3A_779 : i32
        %parallel_loop3A_781 = vector.broadcast %parallel_loop3A_776 : i32 to vector<16xi32>
        %parallel_loop3A_782 = arith.addi %iota3A, %parallel_loop3A_781 : vector<16xi32>
        %parallel_loop3A_783 = arith.constant 31 : i32
        %parallel_loop3A_784 = vector.broadcast %parallel_loop3A_783 : i32 to vector<16xi32>
        %parallel_loop3A_785 = arith.andi %parallel_loop3A_782, %parallel_loop3A_784 : vector<16xi32>
        %parallel_loop3A_786 = arith.constant 0 : i32
        %parallel_loop3A_787 = arith.addi %parallel_loop3A_786, %parallel_loop3A_780 : i32
        %parallel_loop3A_788 = vector.broadcast %parallel_loop3A_787 : i32 to vector<16xi32>
        %parallel_loop3A_789 = arith.addi %iota3A, %parallel_loop3A_788 : vector<16xi32>
        %parallel_loop3A_790 = tpu.vector_load_idx %arg9[%parallel_loop3A_789, %parallel_loop3A_785] : memref<256x32xf32, #tpu.memory_space<vmem>>[vector<16xi32>, vector<16xi32>], vector<16xf32>,
        %parallel_loop3A_791 = arith.constant 7 : i32
        %parallel_loop3A_792 = vector.broadcast %parallel_loop3A_791 : i32 to vector<16xi32>
        %parallel_loop3A_793 = arith.shli %parallel_loop3A_785, %parallel_loop3A_792 : vector<16xi32>
        %parallel_loop3A_794 = arith.addi %parallel_loop3A_793, %parallel_loop3A_789 : vector<16xi32>
        %parallel_loop3A_795 = arith.constant 0 : i32
        %parallel_loop3A_796 = vector.broadcast %parallel_loop3A_795 : i32 to vector<16xi32>
        %parallel_loop3A_797 = arith.addi %parallel_loop3A_794, %parallel_loop3A_796 : vector<16xi32>
        tpu.vector_store_idx %arg11[%parallel_loop3A_797], %parallel_loop3A_790 : memref<8192xf32, #tpu.memory_space<vmem>>[vector<16xi32>], vector<16xf32>,
      } {sc.loop_unroll_factor = 8 : i64, sc.parallel_access}
      %parallel_loop3A_619 = arith.constant 0 : i32
      %parallel_loop3A_620 = arith.constant 256 : i32
      %parallel_loop3A_621 = arith.constant 1 : i32
      scf.for %parallel_loop3A_774 = %parallel_loop3A_619 to %parallel_loop3A_620 step %parallel_loop3A_621  : i32 {
        %parallel_loop3A_775 = arith.constant 31 : i32
        %parallel_loop3A_776 = arith.andi %parallel_loop3A_774, %parallel_loop3A_775 : i32
        %parallel_loop3A_777 = arith.constant 5 : i32
        %parallel_loop3A_778 = arith.shrsi %parallel_loop3A_774, %parallel_loop3A_777 : i32
        %parallel_loop3A_779 = arith.constant 4 : i32
        %parallel_loop3A_780 = arith.shli %parallel_loop3A_778, %parallel_loop3A_779 : i32
        %parallel_loop3A_781 = vector.broadcast %parallel_loop3A_776 : i32 to vector<16xi32>
        %parallel_loop3A_782 = arith.addi %iota3A, %parallel_loop3A_781 : vector<16xi32>
        %parallel_loop3A_783 = arith.constant 31 : i32
        %parallel_loop3A_784 = vector.broadcast %parallel_loop3A_783 : i32 to vector<16xi32>
        %parallel_loop3A_785 = arith.andi %parallel_loop3A_782, %parallel_loop3A_784 : vector<16xi32>
        %parallel_loop3A_786 = arith.constant 128 : i32
        %parallel_loop3A_787 = arith.addi %parallel_loop3A_786, %parallel_loop3A_780 : i32
        %parallel_loop3A_788 = vector.broadcast %parallel_loop3A_787 : i32 to vector<16xi32>
        %parallel_loop3A_789 = arith.addi %iota3A, %parallel_loop3A_788 : vector<16xi32>
        %parallel_loop3A_790 = tpu.vector_load_idx %arg9[%parallel_loop3A_789, %parallel_loop3A_785] : memref<256x32xf32, #tpu.memory_space<vmem>>[vector<16xi32>, vector<16xi32>], vector<16xf32>,
        %parallel_loop3A_791 = arith.constant 7 : i32
        %parallel_loop3A_792 = vector.broadcast %parallel_loop3A_791 : i32 to vector<16xi32>
        %parallel_loop3A_793 = arith.shli %parallel_loop3A_785, %parallel_loop3A_792 : vector<16xi32>
        %parallel_loop3A_794 = arith.addi %parallel_loop3A_793, %parallel_loop3A_789 : vector<16xi32>
        %parallel_loop3A_795 = arith.constant 3968 : i32
        %parallel_loop3A_796 = vector.broadcast %parallel_loop3A_795 : i32 to vector<16xi32>
        %parallel_loop3A_797 = arith.addi %parallel_loop3A_794, %parallel_loop3A_796 : vector<16xi32>
        tpu.vector_store_idx %arg11[%parallel_loop3A_797], %parallel_loop3A_790 : memref<8192xf32, #tpu.memory_space<vmem>>[vector<16xi32>], vector<16xf32>,
      } {sc.loop_unroll_factor = 8 : i64, sc.parallel_access}
      %mul3A_622 = arith.constant 2 : i32
      %mul3A_623 = arith.muli %add3A_603, %mul3A_622 : i32
      %add3A_624 = arith.constant 0 : i32
      %add3A_625 = arith.addi %mul3A_623, %add3A_624 : i32
      %mul3A_626 = arith.constant 4 : i32
      %mul3A_627 = arith.muli %add3A_625, %mul3A_626 : i32
      %add3A_628 = arith.constant 0 : i32
      %add3A_629 = arith.addi %mul3A_627, %add3A_628 : i32
      %mul3A_630 = arith.constant 32 : i32
      %mul3A_631 = arith.muli %add3A_629, %mul3A_630 : i32
      %add3A_632 = arith.addi %mul3A_631, %add3A : i32
      %mul3A_633 = arith.constant 1024 : i32
      %mul3A_634 = arith.muli %add3A_632, %mul3A_633 : i32
      %mul3A_635 = arith.constant 2 : i32
      %mul3A_636 = arith.muli %add3A_603, %mul3A_635 : i32
      %add3A_637 = arith.constant 0 : i32
      %add3A_638 = arith.addi %mul3A_636, %add3A_637 : i32
      %mul3A_639 = arith.constant 4 : i32
      %mul3A_640 = arith.muli %add3A_638, %mul3A_639 : i32
      %add3A_641 = arith.constant 1 : i32
      %add3A_642 = arith.addi %mul3A_640, %add3A_641 : i32
      %mul3A_643 = arith.constant 32 : i32
      %mul3A_644 = arith.muli %add3A_642, %mul3A_643 : i32
      %add3A_645 = arith.addi %mul3A_644, %add3A : i32
      %mul3A_646 = arith.constant 1024 : i32
      %mul3A_647 = arith.muli %add3A_645, %mul3A_646 : i32
      %mul3A_648 = arith.constant 2 : i32
      %mul3A_649 = arith.muli %add3A_603, %mul3A_648 : i32
      %add3A_650 = arith.constant 0 : i32
      %add3A_651 = arith.addi %mul3A_649, %add3A_650 : i32
      %mul3A_652 = arith.constant 4 : i32
      %mul3A_653 = arith.muli %add3A_651, %mul3A_652 : i32
      %add3A_654 = arith.constant 2 : i32
      %add3A_655 = arith.addi %mul3A_653, %add3A_654 : i32
      %mul3A_656 = arith.constant 32 : i32
      %mul3A_657 = arith.muli %add3A_655, %mul3A_656 : i32
      %add3A_658 = arith.addi %mul3A_657, %add3A : i32
      %mul3A_659 = arith.constant 1024 : i32
      %mul3A_660 = arith.muli %add3A_658, %mul3A_659 : i32
      %mul3A_661 = arith.constant 2 : i32
      %mul3A_662 = arith.muli %add3A_603, %mul3A_661 : i32
      %add3A_663 = arith.constant 0 : i32
      %add3A_664 = arith.addi %mul3A_662, %add3A_663 : i32
      %mul3A_665 = arith.constant 4 : i32
      %mul3A_666 = arith.muli %add3A_664, %mul3A_665 : i32
      %add3A_667 = arith.constant 3 : i32
      %add3A_668 = arith.addi %mul3A_666, %add3A_667 : i32
      %mul3A_669 = arith.constant 32 : i32
      %mul3A_670 = arith.muli %add3A_668, %mul3A_669 : i32
      %add3A_671 = arith.addi %mul3A_670, %add3A : i32
      %mul3A_672 = arith.constant 1024 : i32
      %mul3A_673 = arith.muli %add3A_671, %mul3A_672 : i32
      %mul3A_674 = arith.constant 2 : i32
      %mul3A_675 = arith.muli %add3A_603, %mul3A_674 : i32
      %add3A_676 = arith.constant 1 : i32
      %add3A_677 = arith.addi %mul3A_675, %add3A_676 : i32
      %mul3A_678 = arith.constant 4 : i32
      %mul3A_679 = arith.muli %add3A_677, %mul3A_678 : i32
      %add3A_680 = arith.constant 0 : i32
      %add3A_681 = arith.addi %mul3A_679, %add3A_680 : i32
      %mul3A_682 = arith.constant 32 : i32
      %mul3A_683 = arith.muli %add3A_681, %mul3A_682 : i32
      %add3A_684 = arith.addi %mul3A_683, %add3A : i32
      %mul3A_685 = arith.constant 1024 : i32
      %mul3A_686 = arith.muli %add3A_684, %mul3A_685 : i32
      %mul3A_687 = arith.constant 2 : i32
      %mul3A_688 = arith.muli %add3A_603, %mul3A_687 : i32
      %add3A_689 = arith.constant 1 : i32
      %add3A_690 = arith.addi %mul3A_688, %add3A_689 : i32
      %mul3A_691 = arith.constant 4 : i32
      %mul3A_692 = arith.muli %add3A_690, %mul3A_691 : i32
      %add3A_693 = arith.constant 1 : i32
      %add3A_694 = arith.addi %mul3A_692, %add3A_693 : i32
      %mul3A_695 = arith.constant 32 : i32
      %mul3A_696 = arith.muli %add3A_694, %mul3A_695 : i32
      %add3A_697 = arith.addi %mul3A_696, %add3A : i32
      %mul3A_698 = arith.constant 1024 : i32
      %mul3A_699 = arith.muli %add3A_697, %mul3A_698 : i32
      %mul3A_700 = arith.constant 2 : i32
      %mul3A_701 = arith.muli %add3A_603, %mul3A_700 : i32
      %add3A_702 = arith.constant 1 : i32
      %add3A_703 = arith.addi %mul3A_701, %add3A_702 : i32
      %mul3A_704 = arith.constant 4 : i32
      %mul3A_705 = arith.muli %add3A_703, %mul3A_704 : i32
      %add3A_706 = arith.constant 2 : i32
      %add3A_707 = arith.addi %mul3A_705, %add3A_706 : i32
      %mul3A_708 = arith.constant 32 : i32
      %mul3A_709 = arith.muli %add3A_707, %mul3A_708 : i32
      %add3A_710 = arith.addi %mul3A_709, %add3A : i32
      %mul3A_711 = arith.constant 1024 : i32
      %mul3A_712 = arith.muli %add3A_710, %mul3A_711 : i32
      %mul3A_713 = arith.constant 2 : i32
      %mul3A_714 = arith.muli %add3A_603, %mul3A_713 : i32
      %add3A_715 = arith.constant 1 : i32
      %add3A_716 = arith.addi %mul3A_714, %add3A_715 : i32
      %mul3A_717 = arith.constant 4 : i32
      %mul3A_718 = arith.muli %add3A_716, %mul3A_717 : i32
      %add3A_719 = arith.constant 3 : i32
      %add3A_720 = arith.addi %mul3A_718, %add3A_719 : i32
      %mul3A_721 = arith.constant 32 : i32
      %mul3A_722 = arith.muli %add3A_720, %mul3A_721 : i32
      %add3A_723 = arith.addi %mul3A_722, %add3A : i32
      %mul3A_724 = arith.constant 1024 : i32
      %mul3A_725 = arith.muli %add3A_723, %mul3A_724 : i32
      %dma_start3A_726 = arith.constant 0 : i32
      %dma_start3A_727 = tpu.memref_slice %arg11[%dma_start3A_726] : memref<8192xf32, #tpu.memory_space<vmem>> -> memref<1024xf32, #tpu.memory_space<vmem>>
      %dma_start3A_728 = tpu.memref_slice %arg4[%mul3A_634] : memref<26214400xf32, #tpu.memory_space<hbm>> -> memref<1024xf32, #tpu.memory_space<hbm>>
      %dma_start3A_729 = tpu.memref_slice %arg4[%mul3A_634] : memref<26214400xf32, #tpu.memory_space<hbm>> -> memref<1024xf32, #tpu.memory_space<hbm>>
      %dma_start3A_730 = arith.constant 0 : i32
      %dma_start3A_731 = tpu.memref_slice %arg11[%dma_start3A_730] : memref<8192xf32, #tpu.memory_space<vmem>> -> memref<1024xf32, #tpu.memory_space<vmem>>
      tpu.enqueue_dma source(%dma_start3A_731 : memref<1024xf32, #tpu.memory_space<vmem>>) target(%dma_start3A_729 : memref<1024xf32, #tpu.memory_space<hbm>>) target_semaphore(%arg15 : memref<!tpu.dma_semaphore, #tpu.memory_space<semaphore_mem>>)
      %dma_start3A_732 = arith.constant 1024 : i32
      %dma_start3A_733 = tpu.memref_slice %arg11[%dma_start3A_732] : memref<8192xf32, #tpu.memory_space<vmem>> -> memref<1024xf32, #tpu.memory_space<vmem>>
      %dma_start3A_734 = tpu.memref_slice %arg4[%mul3A_647] : memref<26214400xf32, #tpu.memory_space<hbm>> -> memref<1024xf32, #tpu.memory_space<hbm>>
      %dma_start3A_735 = tpu.memref_slice %arg4[%mul3A_647] : memref<26214400xf32, #tpu.memory_space<hbm>> -> memref<1024xf32, #tpu.memory_space<hbm>>
      %dma_start3A_736 = arith.constant 1024 : i32
      %dma_start3A_737 = tpu.memref_slice %arg11[%dma_start3A_736] : memref<8192xf32, #tpu.memory_space<vmem>> -> memref<1024xf32, #tpu.memory_space<vmem>>
      tpu.enqueue_dma source(%dma_start3A_737 : memref<1024xf32, #tpu.memory_space<vmem>>) target(%dma_start3A_735 : memref<1024xf32, #tpu.memory_space<hbm>>) target_semaphore(%arg15 : memref<!tpu.dma_semaphore, #tpu.memory_space<semaphore_mem>>)
      %dma_start3A_738 = arith.constant 2048 : i32
      %dma_start3A_739 = tpu.memref_slice %arg11[%dma_start3A_738] : memref<8192xf32, #tpu.memory_space<vmem>> -> memref<1024xf32, #tpu.memory_space<vmem>>
      %dma_start3A_740 = tpu.memref_slice %arg4[%mul3A_660] : memref<26214400xf32, #tpu.memory_space<hbm>> -> memref<1024xf32, #tpu.memory_space<hbm>>
      %dma_start3A_741 = tpu.memref_slice %arg4[%mul3A_660] : memref<26214400xf32, #tpu.memory_space<hbm>> -> memref<1024xf32, #tpu.memory_space<hbm>>
      %dma_start3A_742 = arith.constant 2048 : i32
      %dma_start3A_743 = tpu.memref_slice %arg11[%dma_start3A_742] : memref<8192xf32, #tpu.memory_space<vmem>> -> memref<1024xf32, #tpu.memory_space<vmem>>
      tpu.enqueue_dma source(%dma_start3A_743 : memref<1024xf32, #tpu.memory_space<vmem>>) target(%dma_start3A_741 : memref<1024xf32, #tpu.memory_space<hbm>>) target_semaphore(%arg15 : memref<!tpu.dma_semaphore, #tpu.memory_space<semaphore_mem>>)
      %dma_start3A_744 = arith.constant 3072 : i32
      %dma_start3A_745 = tpu.memref_slice %arg11[%dma_start3A_744] : memref<8192xf32, #tpu.memory_space<vmem>> -> memref<1024xf32, #tpu.memory_space<vmem>>
      %dma_start3A_746 = tpu.memref_slice %arg4[%mul3A_673] : memref<26214400xf32, #tpu.memory_space<hbm>> -> memref<1024xf32, #tpu.memory_space<hbm>>
      %dma_start3A_747 = tpu.memref_slice %arg4[%mul3A_673] : memref<26214400xf32, #tpu.memory_space<hbm>> -> memref<1024xf32, #tpu.memory_space<hbm>>
      %dma_start3A_748 = arith.constant 3072 : i32
      %dma_start3A_749 = tpu.memref_slice %arg11[%dma_start3A_748] : memref<8192xf32, #tpu.memory_space<vmem>> -> memref<1024xf32, #tpu.memory_space<vmem>>
      tpu.enqueue_dma source(%dma_start3A_749 : memref<1024xf32, #tpu.memory_space<vmem>>) target(%dma_start3A_747 : memref<1024xf32, #tpu.memory_space<hbm>>) target_semaphore(%arg15 : memref<!tpu.dma_semaphore, #tpu.memory_space<semaphore_mem>>)
      %dma_start3A_750 = arith.constant 4096 : i32
      %dma_start3A_751 = tpu.memref_slice %arg11[%dma_start3A_750] : memref<8192xf32, #tpu.memory_space<vmem>> -> memref<1024xf32, #tpu.memory_space<vmem>>
      %dma_start3A_752 = tpu.memref_slice %arg4[%mul3A_686] : memref<26214400xf32, #tpu.memory_space<hbm>> -> memref<1024xf32, #tpu.memory_space<hbm>>
      %dma_start3A_753 = tpu.memref_slice %arg4[%mul3A_686] : memref<26214400xf32, #tpu.memory_space<hbm>> -> memref<1024xf32, #tpu.memory_space<hbm>>
      %dma_start3A_754 = arith.constant 4096 : i32
      %dma_start3A_755 = tpu.memref_slice %arg11[%dma_start3A_754] : memref<8192xf32, #tpu.memory_space<vmem>> -> memref<1024xf32, #tpu.memory_space<vmem>>
      tpu.enqueue_dma source(%dma_start3A_755 : memref<1024xf32, #tpu.memory_space<vmem>>) target(%dma_start3A_753 : memref<1024xf32, #tpu.memory_space<hbm>>) target_semaphore(%arg15 : memref<!tpu.dma_semaphore, #tpu.memory_space<semaphore_mem>>)
      %dma_start3A_756 = arith.constant 5120 : i32
      %dma_start3A_757 = tpu.memref_slice %arg11[%dma_start3A_756] : memref<8192xf32, #tpu.memory_space<vmem>> -> memref<1024xf32, #tpu.memory_space<vmem>>
      %dma_start3A_758 = tpu.memref_slice %arg4[%mul3A_699] : memref<26214400xf32, #tpu.memory_space<hbm>> -> memref<1024xf32, #tpu.memory_space<hbm>>
      %dma_start3A_759 = tpu.memref_slice %arg4[%mul3A_699] : memref<26214400xf32, #tpu.memory_space<hbm>> -> memref<1024xf32, #tpu.memory_space<hbm>>
      %dma_start3A_760 = arith.constant 5120 : i32
      %dma_start3A_761 = tpu.memref_slice %arg11[%dma_start3A_760] : memref<8192xf32, #tpu.memory_space<vmem>> -> memref<1024xf32, #tpu.memory_space<vmem>>
      tpu.enqueue_dma source(%dma_start3A_761 : memref<1024xf32, #tpu.memory_space<vmem>>) target(%dma_start3A_759 : memref<1024xf32, #tpu.memory_space<hbm>>) target_semaphore(%arg15 : memref<!tpu.dma_semaphore, #tpu.memory_space<semaphore_mem>>)
      %dma_start3A_762 = arith.constant 6144 : i32
      %dma_start3A_763 = tpu.memref_slice %arg11[%dma_start3A_762] : memref<8192xf32, #tpu.memory_space<vmem>> -> memref<1024xf32, #tpu.memory_space<vmem>>
      %dma_start3A_764 = tpu.memref_slice %arg4[%mul3A_712] : memref<26214400xf32, #tpu.memory_space<hbm>> -> memref<1024xf32, #tpu.memory_space<hbm>>
      %dma_start3A_765 = tpu.memref_slice %arg4[%mul3A_712] : memref<26214400xf32, #tpu.memory_space<hbm>> -> memref<1024xf32, #tpu.memory_space<hbm>>
      %dma_start3A_766 = arith.constant 6144 : i32
      %dma_start3A_767 = tpu.memref_slice %arg11[%dma_start3A_766] : memref<8192xf32, #tpu.memory_space<vmem>> -> memref<1024xf32, #tpu.memory_space<vmem>>
      tpu.enqueue_dma source(%dma_start3A_767 : memref<1024xf32, #tpu.memory_space<vmem>>) target(%dma_start3A_765 : memref<1024xf32, #tpu.memory_space<hbm>>) target_semaphore(%arg15 : memref<!tpu.dma_semaphore, #tpu.memory_space<semaphore_mem>>)
      %dma_start3A_768 = arith.constant 7168 : i32
      %dma_start3A_769 = tpu.memref_slice %arg11[%dma_start3A_768] : memref<8192xf32, #tpu.memory_space<vmem>> -> memref<1024xf32, #tpu.memory_space<vmem>>
      %dma_start3A_770 = tpu.memref_slice %arg4[%mul3A_725] : memref<26214400xf32, #tpu.memory_space<hbm>> -> memref<1024xf32, #tpu.memory_space<hbm>>
      %dma_start3A_771 = tpu.memref_slice %arg4[%mul3A_725] : memref<26214400xf32, #tpu.memory_space<hbm>> -> memref<1024xf32, #tpu.memory_space<hbm>>
      %dma_start3A_772 = arith.constant 7168 : i32
      %dma_start3A_773 = tpu.memref_slice %arg11[%dma_start3A_772] : memref<8192xf32, #tpu.memory_space<vmem>> -> memref<1024xf32, #tpu.memory_space<vmem>>
      tpu.enqueue_dma source(%dma_start3A_773 : memref<1024xf32, #tpu.memory_space<vmem>>) target(%dma_start3A_771 : memref<1024xf32, #tpu.memory_space<hbm>>) target_semaphore(%arg15 : memref<!tpu.dma_semaphore, #tpu.memory_space<semaphore_mem>>)
    }
    %scan3A_154 = arith.constant 50 : i32
    %add3A_155 = arith.constant 25088 : i32
    %add3A_156 = arith.addi %add3A_155, %add3A : i32
    %mul3A_157 = arith.constant 1024 : i32
    %mul3A_158 = arith.muli %add3A_156, %mul3A_157 : i32
    %add3A_159 = arith.constant 25120 : i32
    %add3A_160 = arith.addi %add3A_159, %add3A : i32
    %mul3A_161 = arith.constant 1024 : i32
    %mul3A_162 = arith.muli %add3A_160, %mul3A_161 : i32
    %add3A_163 = arith.constant 25152 : i32
    %add3A_164 = arith.addi %add3A_163, %add3A : i32
    %mul3A_165 = arith.constant 1024 : i32
    %mul3A_166 = arith.muli %add3A_164, %mul3A_165 : i32
    %add3A_167 = arith.constant 25184 : i32
    %add3A_168 = arith.addi %add3A_167, %add3A : i32
    %mul3A_169 = arith.constant 1024 : i32
    %mul3A_170 = arith.muli %add3A_168, %mul3A_169 : i32
    %add3A_171 = arith.constant 25216 : i32
    %add3A_172 = arith.addi %add3A_171, %add3A : i32
    %mul3A_173 = arith.constant 1024 : i32
    %mul3A_174 = arith.muli %add3A_172, %mul3A_173 : i32
    %add3A_175 = arith.constant 25248 : i32
    %add3A_176 = arith.addi %add3A_175, %add3A : i32
    %mul3A_177 = arith.constant 1024 : i32
    %mul3A_178 = arith.muli %add3A_176, %mul3A_177 : i32
    %add3A_179 = arith.constant 25280 : i32
    %add3A_180 = arith.addi %add3A_179, %add3A : i32
    %mul3A_181 = arith.constant 1024 : i32
    %mul3A_182 = arith.muli %add3A_180, %mul3A_181 : i32
    %add3A_183 = arith.constant 25312 : i32
    %add3A_184 = arith.addi %add3A_183, %add3A : i32
    %mul3A_185 = arith.constant 1024 : i32
    %mul3A_186 = arith.muli %add3A_184, %mul3A_185 : i32
    %dma_wait3A = arith.constant 0 : i32
    %dma_wait3A_187 = tpu.memref_slice %arg10[%dma_wait3A] : memref<8192xf32, #tpu.memory_space<vmem>> -> memref<1024xf32, #tpu.memory_space<vmem>>
    %dma_wait3A_188 = tpu.memref_slice %arg4[%mul3A_158] : memref<26214400xf32, #tpu.memory_space<hbm>> -> memref<1024xf32, #tpu.memory_space<hbm>>
    %dma_wait3A_189 = tpu.memref_slice %arg4[%mul3A_158] : memref<26214400xf32, #tpu.memory_space<hbm>> -> memref<1024xf32, #tpu.memory_space<hbm>>
    %dma_wait3A_190 = arith.constant 0 : i32
    %dma_wait3A_191 = tpu.memref_slice %arg10[%dma_wait3A_190] : memref<8192xf32, #tpu.memory_space<vmem>> -> memref<1024xf32, #tpu.memory_space<vmem>>
    tpu.wait_dma2 semaphore(%arg14 : memref<!tpu.dma_semaphore, #tpu.memory_space<semaphore_mem>>) src(%dma_wait3A_191 : memref<1024xf32, #tpu.memory_space<vmem>>) dst(%dma_wait3A_189 : memref<1024xf32, #tpu.memory_space<hbm>>)
    %dma_wait3A_192 = arith.constant 1024 : i32
    %dma_wait3A_193 = tpu.memref_slice %arg10[%dma_wait3A_192] : memref<8192xf32, #tpu.memory_space<vmem>> -> memref<1024xf32, #tpu.memory_space<vmem>>
    %dma_wait3A_194 = tpu.memref_slice %arg4[%mul3A_162] : memref<26214400xf32, #tpu.memory_space<hbm>> -> memref<1024xf32, #tpu.memory_space<hbm>>
    %dma_wait3A_195 = tpu.memref_slice %arg4[%mul3A_162] : memref<26214400xf32, #tpu.memory_space<hbm>> -> memref<1024xf32, #tpu.memory_space<hbm>>
    %dma_wait3A_196 = arith.constant 1024 : i32
    %dma_wait3A_197 = tpu.memref_slice %arg10[%dma_wait3A_196] : memref<8192xf32, #tpu.memory_space<vmem>> -> memref<1024xf32, #tpu.memory_space<vmem>>
    tpu.wait_dma2 semaphore(%arg14 : memref<!tpu.dma_semaphore, #tpu.memory_space<semaphore_mem>>) src(%dma_wait3A_197 : memref<1024xf32, #tpu.memory_space<vmem>>) dst(%dma_wait3A_195 : memref<1024xf32, #tpu.memory_space<hbm>>)
    %dma_wait3A_198 = arith.constant 2048 : i32
    %dma_wait3A_199 = tpu.memref_slice %arg10[%dma_wait3A_198] : memref<8192xf32, #tpu.memory_space<vmem>> -> memref<1024xf32, #tpu.memory_space<vmem>>
    %dma_wait3A_200 = tpu.memref_slice %arg4[%mul3A_166] : memref<26214400xf32, #tpu.memory_space<hbm>> -> memref<1024xf32, #tpu.memory_space<hbm>>
    %dma_wait3A_201 = tpu.memref_slice %arg4[%mul3A_166] : memref<26214400xf32, #tpu.memory_space<hbm>> -> memref<1024xf32, #tpu.memory_space<hbm>>
    %dma_wait3A_202 = arith.constant 2048 : i32
    %dma_wait3A_203 = tpu.memref_slice %arg10[%dma_wait3A_202] : memref<8192xf32, #tpu.memory_space<vmem>> -> memref<1024xf32, #tpu.memory_space<vmem>>
    tpu.wait_dma2 semaphore(%arg14 : memref<!tpu.dma_semaphore, #tpu.memory_space<semaphore_mem>>) src(%dma_wait3A_203 : memref<1024xf32, #tpu.memory_space<vmem>>) dst(%dma_wait3A_201 : memref<1024xf32, #tpu.memory_space<hbm>>)
    %dma_wait3A_204 = arith.constant 3072 : i32
    %dma_wait3A_205 = tpu.memref_slice %arg10[%dma_wait3A_204] : memref<8192xf32, #tpu.memory_space<vmem>> -> memref<1024xf32, #tpu.memory_space<vmem>>
    %dma_wait3A_206 = tpu.memref_slice %arg4[%mul3A_170] : memref<26214400xf32, #tpu.memory_space<hbm>> -> memref<1024xf32, #tpu.memory_space<hbm>>
    %dma_wait3A_207 = tpu.memref_slice %arg4[%mul3A_170] : memref<26214400xf32, #tpu.memory_space<hbm>> -> memref<1024xf32, #tpu.memory_space<hbm>>
    %dma_wait3A_208 = arith.constant 3072 : i32
    %dma_wait3A_209 = tpu.memref_slice %arg10[%dma_wait3A_208] : memref<8192xf32, #tpu.memory_space<vmem>> -> memref<1024xf32, #tpu.memory_space<vmem>>
    tpu.wait_dma2 semaphore(%arg14 : memref<!tpu.dma_semaphore, #tpu.memory_space<semaphore_mem>>) src(%dma_wait3A_209 : memref<1024xf32, #tpu.memory_space<vmem>>) dst(%dma_wait3A_207 : memref<1024xf32, #tpu.memory_space<hbm>>)
    %dma_wait3A_210 = arith.constant 4096 : i32
    %dma_wait3A_211 = tpu.memref_slice %arg10[%dma_wait3A_210] : memref<8192xf32, #tpu.memory_space<vmem>> -> memref<1024xf32, #tpu.memory_space<vmem>>
    %dma_wait3A_212 = tpu.memref_slice %arg4[%mul3A_174] : memref<26214400xf32, #tpu.memory_space<hbm>> -> memref<1024xf32, #tpu.memory_space<hbm>>
    %dma_wait3A_213 = tpu.memref_slice %arg4[%mul3A_174] : memref<26214400xf32, #tpu.memory_space<hbm>> -> memref<1024xf32, #tpu.memory_space<hbm>>
    %dma_wait3A_214 = arith.constant 4096 : i32
    %dma_wait3A_215 = tpu.memref_slice %arg10[%dma_wait3A_214] : memref<8192xf32, #tpu.memory_space<vmem>> -> memref<1024xf32, #tpu.memory_space<vmem>>
    tpu.wait_dma2 semaphore(%arg14 : memref<!tpu.dma_semaphore, #tpu.memory_space<semaphore_mem>>) src(%dma_wait3A_215 : memref<1024xf32, #tpu.memory_space<vmem>>) dst(%dma_wait3A_213 : memref<1024xf32, #tpu.memory_space<hbm>>)
    %dma_wait3A_216 = arith.constant 5120 : i32
    %dma_wait3A_217 = tpu.memref_slice %arg10[%dma_wait3A_216] : memref<8192xf32, #tpu.memory_space<vmem>> -> memref<1024xf32, #tpu.memory_space<vmem>>
    %dma_wait3A_218 = tpu.memref_slice %arg4[%mul3A_178] : memref<26214400xf32, #tpu.memory_space<hbm>> -> memref<1024xf32, #tpu.memory_space<hbm>>
    %dma_wait3A_219 = tpu.memref_slice %arg4[%mul3A_178] : memref<26214400xf32, #tpu.memory_space<hbm>> -> memref<1024xf32, #tpu.memory_space<hbm>>
    %dma_wait3A_220 = arith.constant 5120 : i32
    %dma_wait3A_221 = tpu.memref_slice %arg10[%dma_wait3A_220] : memref<8192xf32, #tpu.memory_space<vmem>> -> memref<1024xf32, #tpu.memory_space<vmem>>
    tpu.wait_dma2 semaphore(%arg14 : memref<!tpu.dma_semaphore, #tpu.memory_space<semaphore_mem>>) src(%dma_wait3A_221 : memref<1024xf32, #tpu.memory_space<vmem>>) dst(%dma_wait3A_219 : memref<1024xf32, #tpu.memory_space<hbm>>)
    %dma_wait3A_222 = arith.constant 6144 : i32
    %dma_wait3A_223 = tpu.memref_slice %arg10[%dma_wait3A_222] : memref<8192xf32, #tpu.memory_space<vmem>> -> memref<1024xf32, #tpu.memory_space<vmem>>
    %dma_wait3A_224 = tpu.memref_slice %arg4[%mul3A_182] : memref<26214400xf32, #tpu.memory_space<hbm>> -> memref<1024xf32, #tpu.memory_space<hbm>>
    %dma_wait3A_225 = tpu.memref_slice %arg4[%mul3A_182] : memref<26214400xf32, #tpu.memory_space<hbm>> -> memref<1024xf32, #tpu.memory_space<hbm>>
    %dma_wait3A_226 = arith.constant 6144 : i32
    %dma_wait3A_227 = tpu.memref_slice %arg10[%dma_wait3A_226] : memref<8192xf32, #tpu.memory_space<vmem>> -> memref<1024xf32, #tpu.memory_space<vmem>>
    tpu.wait_dma2 semaphore(%arg14 : memref<!tpu.dma_semaphore, #tpu.memory_space<semaphore_mem>>) src(%dma_wait3A_227 : memref<1024xf32, #tpu.memory_space<vmem>>) dst(%dma_wait3A_225 : memref<1024xf32, #tpu.memory_space<hbm>>)
    %dma_wait3A_228 = arith.constant 7168 : i32
    %dma_wait3A_229 = tpu.memref_slice %arg10[%dma_wait3A_228] : memref<8192xf32, #tpu.memory_space<vmem>> -> memref<1024xf32, #tpu.memory_space<vmem>>
    %dma_wait3A_230 = tpu.memref_slice %arg4[%mul3A_186] : memref<26214400xf32, #tpu.memory_space<hbm>> -> memref<1024xf32, #tpu.memory_space<hbm>>
    %dma_wait3A_231 = tpu.memref_slice %arg4[%mul3A_186] : memref<26214400xf32, #tpu.memory_space<hbm>> -> memref<1024xf32, #tpu.memory_space<hbm>>
    %dma_wait3A_232 = arith.constant 7168 : i32
    %dma_wait3A_233 = tpu.memref_slice %arg10[%dma_wait3A_232] : memref<8192xf32, #tpu.memory_space<vmem>> -> memref<1024xf32, #tpu.memory_space<vmem>>
    tpu.wait_dma2 semaphore(%arg14 : memref<!tpu.dma_semaphore, #tpu.memory_space<semaphore_mem>>) src(%dma_wait3A_233 : memref<1024xf32, #tpu.memory_space<vmem>>) dst(%dma_wait3A_231 : memref<1024xf32, #tpu.memory_space<hbm>>)
    %add3A_234 = arith.constant 25344 : i32
    %add3A_235 = arith.addi %add3A_234, %add3A : i32
    %mul3A_236 = arith.constant 1024 : i32
    %mul3A_237 = arith.muli %add3A_235, %mul3A_236 : i32
    %add3A_238 = arith.constant 25376 : i32
    %add3A_239 = arith.addi %add3A_238, %add3A : i32
    %mul3A_240 = arith.constant 1024 : i32
    %mul3A_241 = arith.muli %add3A_239, %mul3A_240 : i32
    %add3A_242 = arith.constant 25408 : i32
    %add3A_243 = arith.addi %add3A_242, %add3A : i32
    %mul3A_244 = arith.constant 1024 : i32
    %mul3A_245 = arith.muli %add3A_243, %mul3A_244 : i32
    %add3A_246 = arith.constant 25440 : i32
    %add3A_247 = arith.addi %add3A_246, %add3A : i32
    %mul3A_248 = arith.constant 1024 : i32
    %mul3A_249 = arith.muli %add3A_247, %mul3A_248 : i32
    %add3A_250 = arith.constant 25472 : i32
    %add3A_251 = arith.addi %add3A_250, %add3A : i32
    %mul3A_252 = arith.constant 1024 : i32
    %mul3A_253 = arith.muli %add3A_251, %mul3A_252 : i32
    %add3A_254 = arith.constant 25504 : i32
    %add3A_255 = arith.addi %add3A_254, %add3A : i32
    %mul3A_256 = arith.constant 1024 : i32
    %mul3A_257 = arith.muli %add3A_255, %mul3A_256 : i32
    %add3A_258 = arith.constant 25536 : i32
    %add3A_259 = arith.addi %add3A_258, %add3A : i32
    %mul3A_260 = arith.constant 1024 : i32
    %mul3A_261 = arith.muli %add3A_259, %mul3A_260 : i32
    %add3A_262 = arith.constant 25568 : i32
    %add3A_263 = arith.addi %add3A_262, %add3A : i32
    %mul3A_264 = arith.constant 1024 : i32
    %mul3A_265 = arith.muli %add3A_263, %mul3A_264 : i32
    %dma_wait3A_266 = arith.constant 0 : i32
    %dma_wait3A_267 = tpu.memref_slice %arg11[%dma_wait3A_266] : memref<8192xf32, #tpu.memory_space<vmem>> -> memref<1024xf32, #tpu.memory_space<vmem>>
    %dma_wait3A_268 = tpu.memref_slice %arg4[%mul3A_237] : memref<26214400xf32, #tpu.memory_space<hbm>> -> memref<1024xf32, #tpu.memory_space<hbm>>
    %dma_wait3A_269 = tpu.memref_slice %arg4[%mul3A_237] : memref<26214400xf32, #tpu.memory_space<hbm>> -> memref<1024xf32, #tpu.memory_space<hbm>>
    %dma_wait3A_270 = arith.constant 0 : i32
    %dma_wait3A_271 = tpu.memref_slice %arg11[%dma_wait3A_270] : memref<8192xf32, #tpu.memory_space<vmem>> -> memref<1024xf32, #tpu.memory_space<vmem>>
    tpu.wait_dma2 semaphore(%arg15 : memref<!tpu.dma_semaphore, #tpu.memory_space<semaphore_mem>>) src(%dma_wait3A_271 : memref<1024xf32, #tpu.memory_space<vmem>>) dst(%dma_wait3A_269 : memref<1024xf32, #tpu.memory_space<hbm>>)
    %dma_wait3A_272 = arith.constant 1024 : i32
    %dma_wait3A_273 = tpu.memref_slice %arg11[%dma_wait3A_272] : memref<8192xf32, #tpu.memory_space<vmem>> -> memref<1024xf32, #tpu.memory_space<vmem>>
    %dma_wait3A_274 = tpu.memref_slice %arg4[%mul3A_241] : memref<26214400xf32, #tpu.memory_space<hbm>> -> memref<1024xf32, #tpu.memory_space<hbm>>
    %dma_wait3A_275 = tpu.memref_slice %arg4[%mul3A_241] : memref<26214400xf32, #tpu.memory_space<hbm>> -> memref<1024xf32, #tpu.memory_space<hbm>>
    %dma_wait3A_276 = arith.constant 1024 : i32
    %dma_wait3A_277 = tpu.memref_slice %arg11[%dma_wait3A_276] : memref<8192xf32, #tpu.memory_space<vmem>> -> memref<1024xf32, #tpu.memory_space<vmem>>
    tpu.wait_dma2 semaphore(%arg15 : memref<!tpu.dma_semaphore, #tpu.memory_space<semaphore_mem>>) src(%dma_wait3A_277 : memref<1024xf32, #tpu.memory_space<vmem>>) dst(%dma_wait3A_275 : memref<1024xf32, #tpu.memory_space<hbm>>)
    %dma_wait3A_278 = arith.constant 2048 : i32
    %dma_wait3A_279 = tpu.memref_slice %arg11[%dma_wait3A_278] : memref<8192xf32, #tpu.memory_space<vmem>> -> memref<1024xf32, #tpu.memory_space<vmem>>
    %dma_wait3A_280 = tpu.memref_slice %arg4[%mul3A_245] : memref<26214400xf32, #tpu.memory_space<hbm>> -> memref<1024xf32, #tpu.memory_space<hbm>>
    %dma_wait3A_281 = tpu.memref_slice %arg4[%mul3A_245] : memref<26214400xf32, #tpu.memory_space<hbm>> -> memref<1024xf32, #tpu.memory_space<hbm>>
    %dma_wait3A_282 = arith.constant 2048 : i32
    %dma_wait3A_283 = tpu.memref_slice %arg11[%dma_wait3A_282] : memref<8192xf32, #tpu.memory_space<vmem>> -> memref<1024xf32, #tpu.memory_space<vmem>>
    tpu.wait_dma2 semaphore(%arg15 : memref<!tpu.dma_semaphore, #tpu.memory_space<semaphore_mem>>) src(%dma_wait3A_283 : memref<1024xf32, #tpu.memory_space<vmem>>) dst(%dma_wait3A_281 : memref<1024xf32, #tpu.memory_space<hbm>>)
    %dma_wait3A_284 = arith.constant 3072 : i32
    %dma_wait3A_285 = tpu.memref_slice %arg11[%dma_wait3A_284] : memref<8192xf32, #tpu.memory_space<vmem>> -> memref<1024xf32, #tpu.memory_space<vmem>>
    %dma_wait3A_286 = tpu.memref_slice %arg4[%mul3A_249] : memref<26214400xf32, #tpu.memory_space<hbm>> -> memref<1024xf32, #tpu.memory_space<hbm>>
    %dma_wait3A_287 = tpu.memref_slice %arg4[%mul3A_249] : memref<26214400xf32, #tpu.memory_space<hbm>> -> memref<1024xf32, #tpu.memory_space<hbm>>
    %dma_wait3A_288 = arith.constant 3072 : i32
    %dma_wait3A_289 = tpu.memref_slice %arg11[%dma_wait3A_288] : memref<8192xf32, #tpu.memory_space<vmem>> -> memref<1024xf32, #tpu.memory_space<vmem>>
    tpu.wait_dma2 semaphore(%arg15 : memref<!tpu.dma_semaphore, #tpu.memory_space<semaphore_mem>>) src(%dma_wait3A_289 : memref<1024xf32, #tpu.memory_space<vmem>>) dst(%dma_wait3A_287 : memref<1024xf32, #tpu.memory_space<hbm>>)
    %dma_wait3A_290 = arith.constant 4096 : i32
    %dma_wait3A_291 = tpu.memref_slice %arg11[%dma_wait3A_290] : memref<8192xf32, #tpu.memory_space<vmem>> -> memref<1024xf32, #tpu.memory_space<vmem>>
    %dma_wait3A_292 = tpu.memref_slice %arg4[%mul3A_253] : memref<26214400xf32, #tpu.memory_space<hbm>> -> memref<1024xf32, #tpu.memory_space<hbm>>
    %dma_wait3A_293 = tpu.memref_slice %arg4[%mul3A_253] : memref<26214400xf32, #tpu.memory_space<hbm>> -> memref<1024xf32, #tpu.memory_space<hbm>>
    %dma_wait3A_294 = arith.constant 4096 : i32
    %dma_wait3A_295 = tpu.memref_slice %arg11[%dma_wait3A_294] : memref<8192xf32, #tpu.memory_space<vmem>> -> memref<1024xf32, #tpu.memory_space<vmem>>
    tpu.wait_dma2 semaphore(%arg15 : memref<!tpu.dma_semaphore, #tpu.memory_space<semaphore_mem>>) src(%dma_wait3A_295 : memref<1024xf32, #tpu.memory_space<vmem>>) dst(%dma_wait3A_293 : memref<1024xf32, #tpu.memory_space<hbm>>)
    %dma_wait3A_296 = arith.constant 5120 : i32
    %dma_wait3A_297 = tpu.memref_slice %arg11[%dma_wait3A_296] : memref<8192xf32, #tpu.memory_space<vmem>> -> memref<1024xf32, #tpu.memory_space<vmem>>
    %dma_wait3A_298 = tpu.memref_slice %arg4[%mul3A_257] : memref<26214400xf32, #tpu.memory_space<hbm>> -> memref<1024xf32, #tpu.memory_space<hbm>>
    %dma_wait3A_299 = tpu.memref_slice %arg4[%mul3A_257] : memref<26214400xf32, #tpu.memory_space<hbm>> -> memref<1024xf32, #tpu.memory_space<hbm>>
    %dma_wait3A_300 = arith.constant 5120 : i32
    %dma_wait3A_301 = tpu.memref_slice %arg11[%dma_wait3A_300] : memref<8192xf32, #tpu.memory_space<vmem>> -> memref<1024xf32, #tpu.memory_space<vmem>>
    tpu.wait_dma2 semaphore(%arg15 : memref<!tpu.dma_semaphore, #tpu.memory_space<semaphore_mem>>) src(%dma_wait3A_301 : memref<1024xf32, #tpu.memory_space<vmem>>) dst(%dma_wait3A_299 : memref<1024xf32, #tpu.memory_space<hbm>>)
    %dma_wait3A_302 = arith.constant 6144 : i32
    %dma_wait3A_303 = tpu.memref_slice %arg11[%dma_wait3A_302] : memref<8192xf32, #tpu.memory_space<vmem>> -> memref<1024xf32, #tpu.memory_space<vmem>>
    %dma_wait3A_304 = tpu.memref_slice %arg4[%mul3A_261] : memref<26214400xf32, #tpu.memory_space<hbm>> -> memref<1024xf32, #tpu.memory_space<hbm>>
    %dma_wait3A_305 = tpu.memref_slice %arg4[%mul3A_261] : memref<26214400xf32, #tpu.memory_space<hbm>> -> memref<1024xf32, #tpu.memory_space<hbm>>
    %dma_wait3A_306 = arith.constant 6144 : i32
    %dma_wait3A_307 = tpu.memref_slice %arg11[%dma_wait3A_306] : memref<8192xf32, #tpu.memory_space<vmem>> -> memref<1024xf32, #tpu.memory_space<vmem>>
    tpu.wait_dma2 semaphore(%arg15 : memref<!tpu.dma_semaphore, #tpu.memory_space<semaphore_mem>>) src(%dma_wait3A_307 : memref<1024xf32, #tpu.memory_space<vmem>>) dst(%dma_wait3A_305 : memref<1024xf32, #tpu.memory_space<hbm>>)
    %dma_wait3A_308 = arith.constant 7168 : i32
    %dma_wait3A_309 = tpu.memref_slice %arg11[%dma_wait3A_308] : memref<8192xf32, #tpu.memory_space<vmem>> -> memref<1024xf32, #tpu.memory_space<vmem>>
    %dma_wait3A_310 = tpu.memref_slice %arg4[%mul3A_265] : memref<26214400xf32, #tpu.memory_space<hbm>> -> memref<1024xf32, #tpu.memory_space<hbm>>
    %dma_wait3A_311 = tpu.memref_slice %arg4[%mul3A_265] : memref<26214400xf32, #tpu.memory_space<hbm>> -> memref<1024xf32, #tpu.memory_space<hbm>>
    %dma_wait3A_312 = arith.constant 7168 : i32
    %dma_wait3A_313 = tpu.memref_slice %arg11[%dma_wait3A_312] : memref<8192xf32, #tpu.memory_space<vmem>> -> memref<1024xf32, #tpu.memory_space<vmem>>
    tpu.wait_dma2 semaphore(%arg15 : memref<!tpu.dma_semaphore, #tpu.memory_space<semaphore_mem>>) src(%dma_wait3A_313 : memref<1024xf32, #tpu.memory_space<vmem>>) dst(%dma_wait3A_311 : memref<1024xf32, #tpu.memory_space<hbm>>)
    return
  }
}

</mosaic_0001>

<sc_bundles>
// kernel: kernel.3.cloned.1.call-start
scs
__scs_entry_jumppad:
0x0: {  	(pc) =	sbr.rel $0x88, $3  }
0x1: {  	(tag) =	ssettag $0x0;
	lr =	simm.s32 $0x1  }
0x2: {  	[smem:$0x3F9F] =	sst lr;
	_ =	strace $0xD0000000  }
0x3: {  	_ = 	snop  }
0x4: {  	_ = 	snop  }
0x5: {  	_ = 	snop  }
0x6: {  	_ = 	snop  }
0x7: {  	_ = 	snop  }
__scs_overlays_trampoline_lowered:
0x8: {  	[smem:$0x3FAE] =	sst s0  }
0x9: {  	[smem:$0x3FAF] =	sst s1  }
0xa: {  	[smem:$0x3FB0] =	sst s2  }
0xb: {  	[smem:$0x3FB1] =	sst s3  }
0xc: {  	[smem:$0x3FB2] =	sst s4  }
0xd: {  	[smem:$0x3FB3] =	sst s5  }
0xe: {  	[smem:$0x3FB4] =	sst s6  }
0xf: {  	[smem:$0x3FB5] =	sst s7  }
0x10: {  	[smem:$0x3FB6] =	sst s8  }
0x11: {  	[smem:$0x3FB7] =	sst s9;
	s0 =	simm.s32 @!p0 $0x0  }
0x12: {  	s1 =	sld [smem:$0x3F9D];
	s0 =	simm.s32 @p0 $0x1  }
0x13: {  	[smem:$0x3FB8] =	sst s0;
	s0 =	simm.s32 @!p1 $0x0  }
0x14: {  	s2 =	sld [smem:$0x3F9C];
	s0 =	simm.s32 @p1 $0x1  }
0x15: {  	[smem:$0x3FB9] =	sst s0;
	s0 =	simm.s32 @!p2 $0x0  }
0x16: {  	s3 =	sld [smem:$0x3FDB];
	s0 =	simm.s32 @p2 $0x1  }
0x17: {  	s4 =	simm.s32 $0x1BF5;
	[smem:$0x3FBB] =	sst s0  }
0x18: {  	s0 =	sld [smem:$0x3F9E];
	_ =	swait.ge [sflag:s4], $0x0  }
0x19: {  	s7 =	sld [smem:$0x3F9F]  }
0x1a: {  	s8 =	sadd.s32 $0xFFFFE003, lr  }
0x1b: {  	s9 =	sadd.s32 $0xFFFFFEF7, lr;
	s5 =	simm.s32 $0xFFFFFFFF;
	p2 =	slt.u32 s8, $0xFFFFF086  }
0x1c: {  	p1 =	slt.u32 s9, $0xF7A;
	s5 =	simm.s32 @!p2 $0x0  }
0x1d: {  	s5 =	simm.s32 @p1 $0x1;
	p0 =	seq.s32 s7, s2  }
0x1e: {  	s7 =	smul.u32 @!p0 $0xF7A, s2;
	p2 =	seq.s32 @!p0 s5, $0x0  }
0x1f: {  	s9 =	smul.u32 $0xF7A, s1;
	s8 =	simm.s32 @!p0 $0x1BF5;
	p2 =	por !p2, p0  }
0x20: {  	[sflag:s8] =	ssyncset.s32 @!p0 $0xFFFFF086;
	s6 =	sadd.s32 @!p0 s3, s7;
	s7 =	simm.s32 @!p0 $0x108  }
0x21: {  	s3 =	sadd.s32 s3, s9;
	s6 =	sadd.s32 @!p0 $0x88, s6;
	s7 =	simm.s32 @p2 $0x1082  }
0x22: {  	[simem:s7], [sflag:s8] =	dma.local @!p0 [hbm:s6], $0xF7A  }
0x23: {  	s9 =	sor.u32 $0xD0000000, s2;
	s6 =	simm.s32 $0x108;
	_ =	swait.ge @!p0 [sflag:s8], $0x0  }
0x24: {  	s3 =	sadd.s32 $0x88, s3;
	s6 =	simm.s32 @!p1 $0x1082;
	[sflag:s4] =	ssyncset.s32 $0xFFFFF086  }
0x25: {  	[simem:s6], [sflag:s4] =	dma.local [hbm:s3], $0xF7A  }
0x26: {  	[smem:$0x3F9F] =	sst s1;
	(tag) =	ssettag s2;
	_ =	strace s9  }
0x27: {  	s1 =	sld [smem:$0x3FAF]  }
0x28: {  	s2 =	sld [smem:$0x3FB0]  }
0x29: {  	s4 =	sld [smem:$0x3FB2]  }
0x2a: {  	p0 =	seq.s32 s5, $0x0;
	s5 =	sld [smem:$0x3FB3]  }
0x2b: {  	s6 =	sld [smem:$0x3FB4]  }
0x2c: {  	s7 =	sld [smem:$0x3FB5]  }
0x2d: {  	s3 =	simm.s32 $0x108;
	s8 =	sld [smem:$0x3FB6]  }
0x2e: {  	s3 =	simm.s32 @!p0 $0x1082;
	s9 =	sld [smem:$0x3FB7]  }
0x2f: {  	lr =	sadd.s32 s0, s3;
	s0 =	sld [smem:$0x3FAE]  }
0x30: {  	s3 =	sld [smem:$0x3FB1]  }
0x31: {  	[smem:$0x3FBA] =	sst s10  }
0x32: {  	s10 =	sld [smem:$0x3FB8];
	_ =	sdelay $0x3  }
0x33: {  	p0 =	seq.s32 s10, $0x1;
	s10 =	sld [smem:$0x3FBA];
	_ =	sdelay $0x3  }
0x34: {  	[smem:$0x3FBA] =	sst s10  }
0x35: {  	s10 =	sld [smem:$0x3FB9];
	_ =	sdelay $0x3  }
0x36: {  	p1 =	seq.s32 s10, $0x1;
	s10 =	sld [smem:$0x3FBA];
	_ =	sdelay $0x3  }
0x37: {  	[smem:$0x3FBA] =	sst s10  }
0x38: {  	s10 =	sld [smem:$0x3FBB]  }
0x39: {  	_ = 	snop;
	(pc) =	sbr.ind lr, $3  }
0x3a: {  	_ = 	snop  }
0x3b: {  	_ = 	snop  }
0x3c: {  	p2 =	seq.s32 s10, $0x1;
	s10 =	sld [smem:$0x3FBA]  }
0x3d: {  	_ =	shalt  }
0x3e: {  	_ =	shalt  }
0x3f: {  	_ =	shalt  }
0x40: {  	_ =	shalt  }
0x41: {  	_ =	shalt  }
0x42: {  	_ =	shalt  }
0x43: {  	_ =	shalt  }
0x44: {  	_ =	shalt  }
0x45: {  	_ =	shalt  }
0x46: {  	_ =	shalt  }
0x47: {  	_ =	shalt  }
0x48: {  	_ =	shalt  }
0x49: {  	_ =	shalt  }
0x4a: {  	_ =	shalt  }
0x4b: {  	_ =	shalt  }
0x4c: {  	_ =	shalt  }
0x4d: {  	_ =	shalt  }
0x4e: {  	_ =	shalt  }
0x4f: {  	_ =	shalt  }
0x50: {  	_ =	shalt  }
0x51: {  	_ =	shalt  }
0x52: {  	_ =	shalt  }
0x53: {  	_ =	shalt  }
0x54: {  	_ =	shalt  }
0x55: {  	_ =	shalt  }
0x56: {  	_ =	shalt  }
0x57: {  	_ =	shalt  }
0x58: {  	_ =	shalt  }
0x59: {  	_ =	shalt  }
0x5a: {  	_ =	shalt  }
0x5b: {  	_ =	shalt  }
0x5c: {  	_ =	shalt  }
0x5d: {  	_ =	shalt  }
0x5e: {  	_ =	shalt  }
0x5f: {  	_ =	shalt  }
0x60: {  	_ =	shalt  }
0x61: {  	_ =	shalt  }
0x62: {  	_ =	shalt  }
0x63: {  	_ =	shalt  }
0x64: {  	_ =	shalt  }
0x65: {  	_ =	shalt  }
0x66: {  	_ =	shalt  }
0x67: {  	_ =	shalt  }
0x68: {  	_ =	shalt  }
0x69: {  	_ =	shalt  }
0x6a: {  	_ =	shalt  }
0x6b: {  	_ =	shalt  }
0x6c: {  	_ =	shalt  }
0x6d: {  	_ =	shalt  }
0x6e: {  	_ =	shalt  }
0x6f: {  	_ =	shalt  }
0x70: {  	_ =	shalt  }
0x71: {  	_ =	shalt  }
0x72: {  	_ =	shalt  }
0x73: {  	_ =	shalt  }
0x74: {  	_ =	shalt  }
0x75: {  	_ =	shalt  }
0x76: {  	_ =	shalt  }
0x77: {  	_ =	shalt  }
0x78: {  	_ =	shalt  }
0x79: {  	_ =	shalt  }
0x7a: {  	_ =	shalt  }
0x7b: {  	_ =	shalt  }
0x7c: {  	_ =	shalt  }
0x7d: {  	_ =	shalt  }
0x7e: {  	_ =	shalt  }
0x7f: {  	_ =	shalt  }
0x80: {  	_ =	shalt  }
0x81: {  	_ =	shalt  }
0x82: {  	_ =	shalt  }
0x83: {  	_ =	shalt  }
0x84: {  	_ =	shalt  }
0x85: {  	_ =	shalt  }
0x86: {  	_ =	shalt  }
0x87: {  	_ =	shalt  }
.Lfunc_end0:
.L_simem_size_0:
called_computation_lowered:
.L_overlay_start_0:
0x88: {  	s2 =	sld [smem:$0x3FD9]  }
0x89: {  	s3 =	sld [smem:$0x3FFE];
	_ =	sdelay $0x1  }
0x8a: {  	s1 =	srdreg.scid  }
0x8b: {  	s0 =	sand.u32 $0x1, s1  }
0x8c: {  	s17 =	sshll.u32 s0, $0xA;
	s2 =	sadd.s32 s3, s2  }
0x8d: {  	s2 =	sadd.s32 s2, s17  }
0x8e: {  	[smem:$0x3FC6] =	sst s2  }
0x8f: {  	_ = 	snop  }
0x90: {  	s2 =	sld [smem:$0x3FD0];
	(tm) =	ssettm $0x1  }
0x91: {  	s18 =	sld [smem:$0x3FFB];
	_ =	sdelay $0x3  }
0x92: {  	_ =	strace s18  }
0x93: {  	s3 =	sld [smem:$0x3FFC];
	_ =	sdelay $0x3  }
0x94: {  	_ =	strace s3  }
0x95: {  	s3 =	sld [smem:$0x3FFD];
	_ =	sdelay $0x3  }
0x96: {  	_ =	strace s3  }
0x97: {  	_ =	strace $0x8FFFFFFF  }
0x98: {  	s19 =	sld [smem:$0x3FDB];
	_ =	sdelay $0x1  }
0x99: {  	s4 =	simm.s32 $_scs_section_size  }
0x9a: {  	s5 =	simm.s32 $_size__tile_overlayer_lowered;
	s6 =	simm.s32 $_tile_overlayer_lowered  }
0x9b: {  	s22 =	simm.s32 $0x1BFF;
	s21 =	sshll.u32 s6, $0x1;
	s3 =	sadd.s32 s4, s19  }
0x9c: {  	s7 =	simm.s32 $0x0;
	s20 =	sshll.u32 s5, $0x1;
	s5 =	sadd.s32 s21, s3  }
0x9d: {  	[timem:s7], [sflag:s22] =	dma.local [hbm:s5], s20  }
0x9e: {  	_ =	swait.ge [sflag:s22], s20  }
0x9f: {  	s4 =	ssub.s32 $0x0, s20;
	[sflag:s22] =	ssyncset.done $0x0  }
0xa0: {  	[sflag:s22] =	ssyncadd.s32 s4;
	_ =	sdelay $0x1  }
0xa1: {  	s23 =	simm.s32 $0x1B8B  }
0xa2: {  	_ =	swait.ge [sflag:s23], $0x1  }
0xa3: {  	[sflag:s23] =	ssyncset.done $0x0  }
0xa4: {  	s25 =	simm.s32 $0x1B8E;
	s24 =	sld [smem:$0x3FFE];
	[sflag:s23] =	ssyncadd.s32 $0xFFFFFFFF  }
0xa5: {  	s26 =	simm.s32 $execute0_lowered;
	[smem:$0x3FD2] =	sst s25  }
0xa6: {  	s5 =	sshll.u32 s26, $0x1;
	_ =	strace $0x80000046;
	[dreg:$0x1] =	wrdreg $0xFFFFFFFF  }
0xa7: {  	s28 =	simm.s32 $_size_execute0_lowered;
	s3 =	sadd.s32 s3, s5;
	[dreg:$0x0] =	wrdreg $0x0  }
0xa8: {  	s5 =	sshll.u32 s28, $0x1;
	[dreg:$0x2] =	wrdreg s3  }
0xa9: {  	[dreg:$0x3] =	wrdreg s5  }
0xaa: {  	[dreg:$0x4] =	wrdreg $0xC0  }
0xab: {  	_ =	task [dreg:s7], $0x5FFFF  }
0xac: {  	[dreg:$0x1] =	wrdreg $0xFFFFFFFF  }
0xad: {  	[dreg:$0x0] =	wrdreg $0x60  }
0xae: {  	[dreg:$0x2] =	wrdreg s24  }
0xaf: {  	[dreg:$0x3] =	wrdreg s2  }
0xb0: {  	[dreg:$0x4] =	wrdreg $0x9  }
0xb1: {  	_ =	task.clear_ibuf [dreg:s7], $0x5FFFF;
	_ =	strace $0x90000046  }
0xb2: {  	s29 =	simm.s32 $0x9;
	_ =	strace $0x80000048  }
0xb3: {  	_ =	swait.ge [sflag:s29], $0x1  }
0xb4: {  	[sflag:s29] =	ssyncadd.s32 $0xFFFFFFFF  }
0xb5: {  	_ =	strace $0x90000048  }
0xb6: {  	_ =	sfence  }
0xb7: {  	s30 =	sld [smem:$0x0];
	_ =	sdelay $0x2  }
0xb8: {  	s31 =	sshll.u32 s1, $0xD;
	s1 =	sshrl.u32 s1, $0x2  }
0xb9: {  	s3 =	sand.u32 $0x4000, s31;
	s1 =	sadd.s32 s1, s30  }
0xba: {  	s0 =	sor.u32 s3, s0;
	s1 =	sshll.u32 s1, $0x11  }
0xbb: {  	s0 =	sor.u32 s1, s0  }
0xbc: {  	s0 =	sadd.s32 $0x8F2B, s0  }
0xbd: {  	[sflag:s0] =	ssyncadd.remote.s32 $0x1  }
0xbe: {  	_ =	sfence.sel $0xFFFF  }
0xbf: {  	[dreg:$0x0] =	wrdreg $0xFFFFFFFF;
	(pc) =	sbr.abs _section_cstart, $3  }
0xc0: {  	[dreg:$0x1] =	wrdreg $0xFFFFFFFF  }
0xc1: {  	_ =	task.clear_ibuf [dreg:s7], $0x2FFFF;
	_ =	strace $0x9FFFFFFF  }
0xc2: {  	(tm) =	ssettm $0x7FFFFFFF  }
0xc3: {  	_ =	shalt  }
tec
execute0_lowered:
.L_overlay_start_1:
0x0: {  	(tag) =	ssettag $0x1  }
0x1: {  	s0 =	srdreg.scid  }
0x2: {  	s2 =	stileid.u32;
	s1 =	rddreg [dreg:$0x0]  }
0x3: {  	s18 =	simm.s32 $0x6600;
	s20 =	simm.s32 $0x8600;
	s21 =	simm.s32 $0x1  }
0x4: {  	s22 =	simm.s32 $0xA600;
	s31 =	simm.s32 $0x2;
	s14 =	simm.s32 $0x0  }
0x5: {  	s0 =	sand.u32 $0x1, s0;
	s3 =	sshll.u32 s2, $0x1;
	s2 =	rddreg [dreg:$0x1]  }
0x6: {  	v0 =	vlaneseq.u32;
	s5 =	sor.u32 s0, s3;
	s3 =	simm.s32 $0x0;
	s0 =	ssub.s32 $0x2, s0  }
0x7: {  	v1 =	vmul.u32 $0xC8, v0;
	v16 =	vand.u32 $0x7, v0;
	s8 =	sadd.s32 $0x2000, s2;
	s9 =	sadd.s32 $0x3000, s2;
	s10 =	sadd.s32 $0x4000, s2  }
0x8: {  	v18 =	vor.u32 $0xFF8, v0;
	s11 =	sadd.s32 $0x5000, s2;
	s12 =	sadd.s32 $0x6000, s2;
	s13 =	sadd.s32 $0x7000, s2;
	v19 =	vor.u32 $0xF80, v16  }
0x9: {  	s4 =	smul.u32 $0xC80, s5;
	[smem:$0x7FF] =	sst s3;
	s7 =	sshrl.u32 s0, $0x1;
	v2 =	vadd.s32 $0xC80, v1;
	v3 =	vadd.s32 $0x1900, v1;
	v4 =	vadd.s32 $0x2580, v1  }
0xa: {  	v5 =	vadd.s32 $0x3200, v1;
	v6 =	vadd.s32 $0x3E80, v1;
	v7 =	vadd.s32 $0x4B00, v1;
	_ =	strace $0x80000047;
	s0 =	ssub.s32 s0, s7;
	s7 =	sadd.s32 $0x1000, s2  }
0xb: {  	v8 =	vadd.s32 $0x5780, v1;
	v9 =	vor.u32 $0x1, v1;
	v10 =	vadd.s32 $0xC81, v1;
	s6 =	sadd.s32 s4, s1;
	s4 =	sadd.s32 $0xF42A00, s1;
	s0 =	smax.u32 s0, $0x1  }
0xc: {  	v11 =	vadd.s32 $0x1901, v1;
	v12 =	vadd.s32 $0x2581, v1;
	v13 =	vadd.s32 $0x3201, v1;
	s1 =	simm.s32 $0x4;
	s30 =	sadd.s32 $0x600, s6;
	[dreg:$0x4] =	wrdreg s0  }
0xd: {  	v14 =	vadd.s32 $0x3E81, v1;
	v15 =	vadd.s32 $0x4B01, v1;
	v17 =	vadd.s32 $0x5781, v1;
	s6 =	sshll.u32 s5, $0x7;
	s0 =	simm.s32 $0xC600;
	[dreg:$0x3] =	wrdreg s30  }
.LBB2_1:
0xe: {  	[dreg:$0x5] =	wrdreg s14  }
0xf: {  	s5 =	rddreg [dreg:$0x3];
	s28 =	simm.s32 $0x5  }
0x10: {  	[tilespmem:s3], [sflag:$0x5] =	stream.linear.gather [hbm4b:s5+s3], $0x6400, $0x38;
	[tilespmem:$0xE600] =	vst v63  }
0x11: {  	_ =	swait.ge [sflag:s28], $0x6400  }
0x12: {  	[sflag:s28] =	ssyncset.done $0x0  }
0x13: {  	[sflag:s28] =	ssyncadd.s32 $0xFFFF9C00  }
0x14: {  	v20 =	vld.idx.msk [tilespmem:v1+s3+$0x0], $0xffff;
	_ =	sdelay $0x4  }
0x15: {  	[tilespmem:$0x6400] =	vst v20  }
0x16: {  	v20 =	vld.idx.msk [tilespmem:v2+s3+$0x0], $0xffff;
	_ =	sdelay $0x4  }
0x17: {  	[tilespmem:$0x6410] =	vst v20  }
0x18: {  	v20 =	vld.idx.msk [tilespmem:v3+s3+$0x0], $0xffff;
	_ =	sdelay $0x4  }
0x19: {  	[tilespmem:$0x6420] =	vst v20  }
0x1a: {  	v20 =	vld.idx.msk [tilespmem:v4+s3+$0x0], $0xffff;
	_ =	sdelay $0x4  }
0x1b: {  	[tilespmem:$0x6430] =	vst v20  }
0x1c: {  	v20 =	vld.idx.msk [tilespmem:v5+s3+$0x0], $0xffff;
	_ =	sdelay $0x4  }
0x1d: {  	[tilespmem:$0x6440] =	vst v20  }
0x1e: {  	v20 =	vld.idx.msk [tilespmem:v6+s3+$0x0], $0xffff;
	_ =	sdelay $0x4  }
0x1f: {  	[tilespmem:$0x6450] =	vst v20  }
0x20: {  	v20 =	vld.idx.msk [tilespmem:v7+s3+$0x0], $0xffff;
	_ =	sdelay $0x4  }
0x21: {  	[tilespmem:$0x6460] =	vst v20  }
0x22: {  	v20 =	vld.idx.msk [tilespmem:v8+s3+$0x0], $0xffff;
	_ =	sdelay $0x4  }
0x23: {  	[tilespmem:$0x6470] =	vst v20  }
0x24: {  	v20 =	vld.idx.msk [tilespmem:v9+s3+$0x0], $0xffff;
	_ =	sdelay $0x4  }
0x25: {  	[tilespmem:$0x6480] =	vst v20  }
0x26: {  	v20 =	vld.idx.msk [tilespmem:v10+s3+$0x0], $0xffff;
	_ =	sdelay $0x4  }
0x27: {  	[tilespmem:$0x6490] =	vst v20  }
0x28: {  	v20 =	vld.idx.msk [tilespmem:v11+s3+$0x0], $0xffff;
	_ =	sdelay $0x4  }
0x29: {  	[tilespmem:$0x64A0] =	vst v20  }
0x2a: {  	v20 =	vld.idx.msk [tilespmem:v12+s3+$0x0], $0xffff;
	_ =	sdelay $0x4  }
0x2b: {  	[tilespmem:$0x64B0] =	vst v20  }
0x2c: {  	v20 =	vld.idx.msk [tilespmem:v13+s3+$0x0], $0xffff;
	_ =	sdelay $0x4  }
0x2d: {  	[tilespmem:$0x64C0] =	vst v20  }
0x2e: {  	v20 =	vld.idx.msk [tilespmem:v14+s3+$0x0], $0xffff;
	_ =	sdelay $0x4  }
0x2f: {  	[tilespmem:$0x64D0] =	vst v20  }
0x30: {  	v20 =	vld.idx.msk [tilespmem:v15+s3+$0x0], $0xffff;
	_ =	sdelay $0x4  }
0x31: {  	[tilespmem:$0x64E0] =	vst v20  }
0x32: {  	v20 =	vld.idx.msk [tilespmem:v17+s3+$0x0], $0xffff;
	_ =	sdelay $0x4  }
0x33: {  	s29 =	simm.s32 $0x100;
	s30 =	simm.s32 $0x6400;
	s25 =	simm.s32 $0x0;
	[tilespmem:$0x64F0] =	vst v20  }
0x34: {  	[tilespmem:s18], [sflag:$0x1] =	stream.indirect.gather [hbm4b:s4+s29], $0x20, s30, s29, $0xb8;
	[tilespmem:$0xE600] =	vst v63  }
.LBB2_2:
0x35: {  	s26 =	sshllo.u32 s25, $0x1  }
0x36: {  	s5 =	sshll.u32 s26, $0x1  }
0x37: {  	v20 =	vmov s5;
	v21 =	vadd.s32 s5, v1  }
0x38: {  	v21 =	vand.u32 $0x7FFFFFF8, v21;
	v20 =	vand.u32 $0x6, v20  }
0x39: {  	v21 =	vor.u32 v20, v21;
	_ =	sdelay $0x3  }
0x3a: {  	v22 =	vadd.s32 s5, v2  }
0x3b: {  	v22 =	vand.u32 $0x7FFFFFF8, v22;
	v21 =	vld.idx.msk [tilespmem:v21+s3+$0x0], $0xffff  }
0x3c: {  	v22 =	vor.u32 v20, v22;
	_ =	sdelay $0x3  }
0x3d: {  	[tilespmem:$0x6500] =	vst v21;
	v21 =	vadd.s32 s5, v3  }
0x3e: {  	v22 =	vld.idx.msk [tilespmem:v22+s3+$0x0], $0xffff;
	v21 =	vand.u32 $0x7FFFFFF8, v21  }
0x3f: {  	v21 =	vor.u32 v20, v21;
	_ =	sdelay $0x3  }
0x40: {  	[tilespmem:$0x6510] =	vst v22;
	v22 =	vadd.s32 s5, v4  }
0x41: {  	v21 =	vld.idx.msk [tilespmem:v21+s3+$0x0], $0xffff;
	v22 =	vand.u32 $0x7FFFFFF8, v22  }
0x42: {  	v22 =	vor.u32 v20, v22;
	_ =	sdelay $0x3  }
0x43: {  	[tilespmem:$0x6520] =	vst v21;
	v21 =	vadd.s32 s5, v5  }
0x44: {  	v22 =	vld.idx.msk [tilespmem:v22+s3+$0x0], $0xffff;
	v21 =	vand.u32 $0x7FFFFFF8, v21  }
0x45: {  	v21 =	vor.u32 v20, v21;
	_ =	sdelay $0x3  }
0x46: {  	[tilespmem:$0x6530] =	vst v22;
	v22 =	vadd.s32 s5, v6  }
0x47: {  	v21 =	vld.idx.msk [tilespmem:v21+s3+$0x0], $0xffff;
	v22 =	vand.u32 $0x7FFFFFF8, v22  }
0x48: {  	v22 =	vor.u32 v20, v22;
	_ =	sdelay $0x3  }
0x49: {  	[tilespmem:$0x6540] =	vst v21;
	v21 =	vadd.s32 s5, v7  }
0x4a: {  	v22 =	vld.idx.msk [tilespmem:v22+s3+$0x0], $0xffff;
	v21 =	vand.u32 $0x7FFFFFF8, v21  }
0x4b: {  	v21 =	vor.u32 v20, v21;
	_ =	sdelay $0x3  }
0x4c: {  	[tilespmem:$0x6550] =	vst v22;
	v22 =	vadd.s32 s5, v8  }
0x4d: {  	v21 =	vld.idx.msk [tilespmem:v21+s3+$0x0], $0xffff;
	v22 =	vand.u32 $0x7FFFFFF8, v22  }
0x4e: {  	v20 =	vor.u32 v20, v22;
	_ =	sdelay $0x3  }
0x4f: {  	[tilespmem:$0x6560] =	vst v21  }
0x50: {  	s28 =	sshllo.u32 s26, $0x1;
	v20 =	vld.idx.msk [tilespmem:v20+s3+$0x0], $0xffff  }
0x51: {  	v21 =	vadd.s32 s28, v1;
	_ =	sdelay $0x3  }
0x52: {  	[tilespmem:$0x6570] =	vst v20  }
0x53: {  	v20 =	vld.idx.msk [tilespmem:v21+s3+$0x0], $0xffff  }
0x54: {  	v21 =	vadd.s32 s28, v2;
	_ =	sdelay $0x3  }
0x55: {  	[tilespmem:$0x6580] =	vst v20  }
0x56: {  	v20 =	vld.idx.msk [tilespmem:v21+s3+$0x0], $0xffff  }
0x57: {  	v21 =	vadd.s32 s28, v3;
	_ =	sdelay $0x3  }
0x58: {  	[tilespmem:$0x6590] =	vst v20  }
0x59: {  	v20 =	vld.idx.msk [tilespmem:v21+s3+$0x0], $0xffff  }
0x5a: {  	v21 =	vadd.s32 s28, v4;
	_ =	sdelay $0x3  }
0x5b: {  	[tilespmem:$0x65A0] =	vst v20  }
0x5c: {  	v20 =	vld.idx.msk [tilespmem:v21+s3+$0x0], $0xffff  }
0x5d: {  	v21 =	vadd.s32 s28, v5;
	_ =	sdelay $0x3  }
0x5e: {  	[tilespmem:$0x65B0] =	vst v20  }
0x5f: {  	v20 =	vld.idx.msk [tilespmem:v21+s3+$0x0], $0xffff  }
0x60: {  	v21 =	vadd.s32 s28, v6;
	_ =	sdelay $0x3  }
0x61: {  	[tilespmem:$0x65C0] =	vst v20  }
0x62: {  	v20 =	vld.idx.msk [tilespmem:v21+s3+$0x0], $0xffff  }
0x63: {  	v21 =	vadd.s32 s28, v7;
	_ =	sdelay $0x3  }
0x64: {  	[tilespmem:$0x65D0] =	vst v20  }
0x65: {  	v20 =	vld.idx.msk [tilespmem:v21+s3+$0x0], $0xffff  }
0x66: {  	v21 =	vadd.s32 s28, v8;
	_ =	sdelay $0x3  }
0x67: {  	[tilespmem:$0x65E0] =	vst v20  }
0x68: {  	v20 =	vld.idx.msk [tilespmem:v21+s3+$0x0], $0xffff;
	_ =	sdelay $0x4  }
0x69: {  	s15 =	simm.s32 $0x100;
	s14 =	simm.s32 $0x6500;
	[tilespmem:$0x65F0] =	vst v20  }
0x6a: {  	[tilespmem:s20], [sflag:$0x2] =	stream.indirect.gather [hbm4b:s4+s15], $0x20, s14, s15, $0xb8;
	[tilespmem:$0xE600] =	vst v63  }
0x6b: {  	_ =	swait.ge [sflag:s21], $0x2000  }
0x6c: {  	p0 =	seq.s32 s25, $0x0;
	[sflag:s21] =	ssyncset.done $0x0  }
0x6d: {  	s14 =	simm.s32 @!p0 $0x3;
	[sflag:s21] =	ssyncadd.s32 $0xFFFFE000  }
0x6e: {  	_ =	swait.ge @!p0 [sflag:s14], $0x400  }
0x6f: {  	[sflag:s14] =	ssyncset.done @!p0 $0x0  }
0x70: {  	[sflag:s14] =	ssyncadd.s32 @!p0 $0xFFFFFC00  }
0x71: {  	_ =	swait.ge @!p0 [sflag:s14], $0x400  }
0x72: {  	[sflag:s14] =	ssyncset.done @!p0 $0x0  }
0x73: {  	[sflag:s14] =	ssyncadd.s32 @!p0 $0xFFFFFC00  }
0x74: {  	_ =	swait.ge @!p0 [sflag:s14], $0x400  }
0x75: {  	[sflag:s14] =	ssyncset.done @!p0 $0x0  }
0x76: {  	[sflag:s14] =	ssyncadd.s32 @!p0 $0xFFFFFC00  }
0x77: {  	_ =	swait.ge @!p0 [sflag:s14], $0x400  }
0x78: {  	s29 =	simm.s32 $0x0;
	[sflag:s14] =	ssyncset.done @!p0 $0x0  }
0x79: {  	s30 =	simm.s32 $0x0;
	s5 =	sand.u32 $0x70, s29;
	[sflag:s14] =	ssyncadd.s32 @!p0 $0xFFFFFC00  }
0x7a: {  	v20 =	vor.u32 s5, v0;
	s15 =	sand.u32 $0x18, s30;
	_ =	swait.ge @!p0 [sflag:s14], $0x400  }
0x7b: {  	v27 =	vshll.u32 v20, $0x5;
	v21 =	vadd.s32 s15, v0;
	s17 =	sor.u32 $0x1, s15;
	s16 =	sor.u32 $0x3, s15;
	[sflag:s14] =	ssyncset.done @!p0 $0x0  }
0x7c: {  	s19 =	sor.u32 $0x4, s15;
	s23 =	sor.u32 $0x6, s15;
	v22 =	vand.u32 $0x18, v21;
	v21 =	vshll.u32 v21, $0x7;
	v23 =	vadd.s32 s17, v0;
	[sflag:s14] =	ssyncadd.s32 @!p0 $0xFFFFFC00  }
0x7d: {  	s24 =	sor.u32 $0x7, s15;
	v29 =	vadd.s32 s16, v0;
	v30 =	vadd.s32 s19, v0;
	v32 =	vadd.s32 s23, v0;
	_ =	swait.ge @!p0 [sflag:s14], $0x400  }
0x7e: {  	v24 =	vadd.s32 s24, v0;
	s24 =	sor.u32 $0x2, s15;
	v28 =	vshll.u32 v23, $0x7;
	v22 =	vor.u32 v27, v22;
	[sflag:s14] =	ssyncset.done @!p0 $0x0  }
0x7f: {  	v25 =	vor.u32 v20, v21;
	v31 =	vand.u32 $0x1F, v23;
	v33 =	vadd.s32 s24, v0;
	[sflag:s14] =	ssyncadd.s32 @!p0 $0xFFFFFC00  }
0x80: {  	s15 =	sor.u32 $0x5, s15;
	v21 =	vand.u32 $0x1F, v29;
	v23 =	vand.u32 $0x1F, v30;
	v34 =	vand.u32 $0x1F, v32;
	_ =	swait.ge @!p0 [sflag:s14], $0x400  }
0x81: {  	v22 =	vor.u32 v16, v22;
	v35 =	vor.u32 v21, v27;
	v21 =	vadd.s32 s15, v0;
	[sflag:s14] =	ssyncset.done @!p0 $0x0  }
0x82: {  	v38 =	vand.u32 $0x1F, v24;
	v36 =	vor.u32 v23, v27;
	v23 =	vand.u32 $0x1F, v21;
	[sflag:s14] =	ssyncadd.s32 @!p0 $0xFFFFFC00  }
0x83: {  	v29 =	vshll.u32 v29, $0x7;
	v26 =	vand.u32 $0x1F, v33;
	v37 =	vor.u32 v23, v27;
	_ =	swait.ge @!p0 [sflag:s14], $0x400  }
0x84: {  	v28 =	vor.u32 v20, v28;
	v39 =	vor.u32 v20, v29;
	v29 =	vor.u32 v38, v27;
	[sflag:s14] =	ssyncset.done @!p0 $0x0  }
0x85: {  	v26 =	vor.u32 v26, v27;
	v21 =	vshll.u32 v21, $0x7;
	v23 =	vor.u32 v34, v27;
	[sflag:s14] =	ssyncadd.s32 @!p0 $0xFFFFFC00  }
0x86: {  	v40 =	vor.u32 v20, v21;
	v34 =	vor.u32 v31, v27;
	v27 =	vshll.u32 v33, $0x7;
	v21 =	vld.idx.msk [tilespmem:v22+s18+$0x0], $0xffff  }
0x87: {  	v33 =	vand.u32 v18, v39;
	v22 =	vand.u32 v18, v28;
	v31 =	vld.idx.msk [tilespmem:v35+s18+$0x0], $0xffff;
	v28 =	vshll.u32 v30, $0x7  }
0x88: {  	v63 =	vshll.u32 v32, $0x7;
	v32 =	vand.u32 v18, v40;
	v30 =	vld.idx.msk [tilespmem:v37+s18+$0x0], $0xffff;
	v28 =	vor.u32 v20, v28  }
0x89: {  	s14 =	simm.s32 $0x4;
	v35 =	vor.u32 v20, v27;
	v27 =	vld.idx.msk [tilespmem:v36+s18+$0x0], $0xffff;
	v36 =	vor.u32 v20, v63;
	v28 =	vand.u32 v18, v28  }
.LBB2_3:
0x8a: {  	s30 =	sadd.s32 $0x8, s30;
	s15 =	sand.u32 $0x70, s14;
	v37 =	vand.u32 v18, v25;
	v26 =	vld.idx.msk [tilespmem:v26+s18+$0x0], $0xffff;
	v36 =	vand.u32 v18, v36;
	v24 =	vshll.u32 v24, $0x7  }
0x8b: {  	v35 =	vand.u32 v18, v35;
	s17 =	sand.u32 $0x18, s30;
	p1 =	slt.u32 s30, $0xF8;
	v34 =	vld.idx.msk [tilespmem:v34+s18+$0x0], $0xffff;
	v24 =	vor.u32 v20, v24;
	v20 =	vor.u32 s15, v0  }
0x8c: {  	v25 =	vadd.s32 s17, v0;
	v38 =	vshll.u32 v20, $0x5;
	s15 =	sor.u32 $0x1, s17;
	s19 =	sor.u32 $0x6, s17;
	s23 =	sor.u32 $0x7, s17;
	[tilespmem:v33+s22+$0x0] =	vst.idx.msk $0xffff, v31;
	v29 =	vld.idx.msk [tilespmem:v29+s18+$0x0], $0xffff;
	v31 =	vand.u32 v18, v24  }
0x8d: {  	s24 =	sor.u32 $0x4, s17;
	s16 =	sor.u32 $0x5, s17;
	v24 =	vand.u32 $0x18, v25;
	v25 =	vshll.u32 v25, $0x7;
	v33 =	vadd.s32 s15, v0;
	s15 =	sor.u32 $0x3, s17;
	v23 =	vld.idx.msk [tilespmem:v23+s18+$0x0], $0xffff  }
0x8e: {  	s17 =	sor.u32 $0x2, s17;
	v41 =	vadd.s32 s24, v0;
	v39 =	vshll.u32 v33, $0x7;
	v40 =	vadd.s32 s15, v0;
	[tilespmem:v32+s22+$0x0] =	vst.idx.msk $0xffff, v30  }
0x8f: {  	v30 =	vor.u32 v38, v24;
	v32 =	vadd.s32 s19, v0;
	v24 =	vadd.s32 s23, v0;
	[tilespmem:v28+s22+$0x0] =	vst.idx.msk $0xffff, v27  }
0x90: {  	v25 =	vor.u32 v20, v25;
	v27 =	vor.u32 v16, v30;
	v28 =	vand.u32 $0x1F, v33;
	[tilespmem:v37+s22+$0x0] =	vst.idx.msk $0xffff, v21  }
0x91: {  	v30 =	vadd.s32 s17, v0;
	v33 =	vand.u32 $0x1F, v41;
	v21 =	vand.u32 $0x1F, v40;
	[tilespmem:v22+s22+$0x0] =	vst.idx.msk $0xffff, v34  }
0x92: {  	v42 =	vor.u32 v33, v38;
	v37 =	vor.u32 v21, v38;
	v22 =	vadd.s32 s16, v0;
	[tilespmem:v31+s22+$0x0] =	vst.idx.msk $0xffff, v29  }
0x93: {  	v29 =	vand.u32 $0x1F, v30;
	v21 =	vand.u32 $0x1F, v22;
	v31 =	vand.u32 $0x1F, v32;
	[tilespmem:v36+s22+$0x0] =	vst.idx.msk $0xffff, v23  }
0x94: {  	v33 =	vand.u32 $0x1F, v24;
	v36 =	vor.u32 v21, v38;
	v23 =	vor.u32 v31, v38;
	[tilespmem:v35+s22+$0x0] =	vst.idx.msk $0xffff, v26  }
0x95: {  	v22 =	vshll.u32 v22, $0x7;
	v26 =	vor.u32 v29, v38;
	v21 =	vld.idx.msk [tilespmem:v27+s18+$0x0], $0xffff;
	v27 =	vshll.u32 v40, $0x7  }
.Ltmp0:
0x96: {  	v29 =	vor.u32 v20, v39;
	v39 =	vor.u32 v20, v22;
	v27 =	vor.u32 v20, v27;
	(pc) =	sbr.rel @p1 .LBB2_3-.Ltmp0, $4  }
0x97: {  	v34 =	vor.u32 v28, v38;
	v22 =	vand.u32 v18, v29;
	v29 =	vor.u32 v33, v38;
	v31 =	vld.idx.msk [tilespmem:v37+s18+$0x0], $0xffff  }
0x98: {  	v28 =	vshll.u32 v30, $0x7;
	v33 =	vand.u32 v18, v27;
	v27 =	vshll.u32 v41, $0x7  }
0x99: {  	v35 =	vor.u32 v20, v28;
	v28 =	vor.u32 v20, v27;
	v30 =	vld.idx.msk [tilespmem:v36+s18+$0x0], $0xffff;
	v36 =	vshll.u32 v32, $0x7  }
0x9a: {  	s14 =	sadd.s32 $0x4, s14;
	v28 =	vand.u32 v18, v28;
	v32 =	vand.u32 v18, v39;
	v27 =	vld.idx.msk [tilespmem:v42+s18+$0x0], $0xffff;
	v36 =	vor.u32 v20, v36  }
0x9b: {  	v24 =	vshll.u32 v24, $0x7;
	s30 =	simm.s32 $0x0  }
0x9c: {  	v25 =	vand.u32 v18, v25;
	v36 =	vand.u32 v18, v36;
	s5 =	sor.u32 $0x80, s5;
	v20 =	vor.u32 v20, v24;
	s14 =	sand.u32 $0x18, s30  }
0x9d: {  	v24 =	vand.u32 v18, v35;
	v37 =	vor.u32 s5, v0;
	v52 =	vadd.s32 s14, v0  }
0x9e: {  	v20 =	vand.u32 v18, v20;
	s15 =	sor.u32 $0x7, s14;
	s16 =	sor.u32 $0x1, s14;
	s19 =	sor.u32 $0x2, s14;
	v40 =	vshll.u32 v37, $0x5;
	v38 =	vand.u32 $0x18, v52  }
0x9f: {  	v34 =	vld.idx.msk [tilespmem:v34+s18+$0x0], $0xffff;
	s23 =	sor.u32 $0x3, s14;
	s24 =	sor.u32 $0x4, s14;
	s17 =	sor.u32 $0x5, s14;
	v39 =	vadd.s32 s15, v0;
	v41 =	vadd.s32 s16, v0;
	v43 =	vadd.s32 s19, v0  }
0xa0: {  	[tilespmem:v33+s22+$0x0] =	vst.idx.msk $0xffff, v31;
	s14 =	sor.u32 $0x6, s14;
	v44 =	vadd.s32 s23, v0;
	v31 =	vadd.s32 s24, v0;
	v53 =	vadd.s32 s17, v0  }
0xa1: {  	v23 =	vld.idx.msk [tilespmem:v23+s18+$0x0], $0xffff;
	v45 =	vadd.s32 s14, v0;
	[tilespmem:v32+s22+$0x0] =	vst.idx.msk $0xffff, v30;
	v42 =	vand.u32 $0x1F, v39;
	v30 =	vor.u32 v40, v38  }
0xa2: {  	v54 =	vand.u32 $0x1F, v41;
	v55 =	vshll.u32 v39, $0x7;
	[tilespmem:v28+s22+$0x0] =	vst.idx.msk $0xffff, v27;
	v27 =	vand.u32 $0x1F, v43  }
0xa3: {  	v26 =	vld.idx.msk [tilespmem:v26+s18+$0x0], $0xffff;
	v28 =	vand.u32 $0x1F, v44;
	v42 =	vor.u32 v42, v40;
	v38 =	vand.u32 $0xF80, v55;
	[tilespmem:v25+s22+$0x0] =	vst.idx.msk $0xffff, v21  }
0xa4: {  	v29 =	vld.idx.msk [tilespmem:v29+s18+$0x0], $0xffff;
	v21 =	vand.u32 $0x1F, v31;
	v25 =	vand.u32 $0x1F, v53;
	[tilespmem:v22+s22+$0x0] =	vst.idx.msk $0xffff, v34;
	v22 =	vor.u32 v16, v30  }
0xa5: {  	v30 =	vand.u32 $0x1F, v45;
	v32 =	vor.u32 v54, v40;
	v27 =	vor.u32 v27, v40  }
0xa6: {  	v28 =	vor.u32 v28, v40;
	[tilespmem:v36+s22+$0x0] =	vst.idx.msk $0xffff, v23;
	v23 =	vshll.u32 v44, $0x7;
	v38 =	vadd.s32 v37, v38  }
0xa7: {  	v56 =	vor.u32 v21, v40;
	v25 =	vor.u32 v25, v40;
	v57 =	vor.u32 v30, v40  }
0xa8: {  	v21 =	vshll.u32 v43, $0x7;
	[tilespmem:v24+s22+$0x0] =	vst.idx.msk $0xffff, v26;
	v24 =	vshll.u32 v31, $0x7;
	v26 =	vshll.u32 v53, $0x7  }
0xa9: {  	v31 =	vshll.u32 v45, $0x7;
	v23 =	vand.u32 $0xF80, v23;
	[tilespmem:v20+s22+$0x0] =	vst.idx.msk $0xffff, v29;
	v20 =	vand.u32 $0x1FF8, v38  }
0xaa: {  	v29 =	vshll.u32 v52, $0x7;
	v58 =	vadd.s32 v19, v20;
	v20 =	vshll.u32 v41, $0x7;
	v59 =	vld.idx.msk [tilespmem:v42+s18+$0x0], $0xffff  }
0xab: {  	v60 =	vand.u32 $0xF80, v24;
	v26 =	vand.u32 $0xF80, v26;
	v30 =	vand.u32 $0xF80, v20;
	v20 =	vld.idx.msk [tilespmem:v22+s18+$0x0], $0xffff  }
0xac: {  	v31 =	vand.u32 $0xF80, v31;
	v61 =	vadd.s32 v37, v23;
	v22 =	vand.u32 $0xF80, v21;
	v21 =	vld.idx.msk [tilespmem:v32+s18+$0x0], $0xffff  }
0xad: {  	v29 =	vand.u32 $0xF80, v29;
	v26 =	vadd.s32 v37, v26;
	v62 =	vadd.s32 v37, v31;
	v24 =	vld.idx.msk [tilespmem:v27+s18+$0x0], $0xffff  }
0xae: {  	v63 =	vadd.s32 v37, v29;
	v27 =	vadd.s32 v37, v30;
	v30 =	vadd.s32 v37, v22;
	v22 =	vld.idx.msk [tilespmem:v28+s18+$0x0], $0xffff  }
0xaf: {  	v33 =	vand.u32 $0x1FF8, v63;
	v32 =	vand.u32 $0x1FF8, v62;
	v28 =	vadd.s32 v37, v60;
	v23 =	vld.idx.msk [tilespmem:v56+s18+$0x0], $0xffff  }
0xb0: {  	v27 =	vand.u32 $0x1FF8, v27;
	v25 =	vld.idx.msk [tilespmem:v25+s18+$0x0], $0xffff;
	v29 =	vand.u32 $0x1FF8, v30;
	v30 =	vand.u32 $0x1FF8, v61  }
0xb1: {  	v31 =	vand.u32 $0x1FF8, v28;
	v28 =	vand.u32 $0x1FF8, v26;
	v26 =	vld.idx.msk [tilespmem:v57+s18+$0x0], $0xffff;
	v27 =	vadd.s32 v19, v27;
	[tilespmem:v58+s22+$0x0] =	vst.idx.msk $0xffff, v59  }
.LBB2_5:
0xb2: {  	s30 =	sadd.s32 $0x8, s30;
	v29 =	vadd.s32 v19, v29;
	v30 =	vadd.s32 v19, v30;
	v31 =	vadd.s32 v19, v31;
	s29 =	sadd.s32 $0x4, s29  }
0xb3: {  	v33 =	vadd.s32 v19, v33;
	v28 =	vadd.s32 v19, v28;
	v32 =	vadd.s32 v19, v32;
	s5 =	sand.u32 $0x18, s30;
	s14 =	sand.u32 $0x70, s29;
	p1 =	slt.u32 s30, $0xF8  }
0xb4: {  	v34 =	vadd.s32 s5, v0;
	s14 =	sor.u32 $0x80, s14;
	s15 =	sor.u32 $0x1, s5;
	s16 =	sor.u32 $0x7, s5  }
0xb5: {  	s17 =	sor.u32 $0x3, s5;
	s19 =	sor.u32 $0x4, s5;
	v35 =	vor.u32 s14, v0;
	v36 =	vand.u32 $0x18, v34;
	s14 =	sor.u32 $0x2, s5;
	v37 =	vadd.s32 s16, v0  }
0xb6: {  	v39 =	vadd.s32 s15, v0;
	s15 =	sor.u32 $0x5, s5;
	s5 =	sor.u32 $0x6, s5;
	v38 =	vshll.u32 v35, $0x5;
	v40 =	vand.u32 $0x1F, v37;
	[tilespmem:v27+s22+$0x0] =	vst.idx.msk $0xffff, v21  }
0xb7: {  	v21 =	vadd.s32 s14, v0;
	v27 =	vadd.s32 s17, v0;
	v40 =	vor.u32 v40, v38;
	[tilespmem:v29+s22+$0x0] =	vst.idx.msk $0xffff, v24  }
0xb8: {  	v41 =	vadd.s32 s5, v0;
	v24 =	vadd.s32 s19, v0;
	v29 =	vadd.s32 s15, v0;
	[tilespmem:v33+s22+$0x0] =	vst.idx.msk $0xffff, v20  }
0xb9: {  	v20 =	vor.u32 v38, v36;
	v33 =	vand.u32 $0x1F, v39;
	v36 =	vshll.u32 v37, $0x7;
	[tilespmem:v30+s22+$0x0] =	vst.idx.msk $0xffff, v22  }
0xba: {  	v22 =	vand.u32 $0x1F, v21;
	v30 =	vand.u32 $0x1F, v27;
	v36 =	vand.u32 $0xF80, v36;
	[tilespmem:v31+s22+$0x0] =	vst.idx.msk $0xffff, v23  }
0xbb: {  	v23 =	vand.u32 $0x1F, v24;
	v31 =	vand.u32 $0x1F, v29;
	v36 =	vadd.s32 v35, v36;
	[tilespmem:v28+s22+$0x0] =	vst.idx.msk $0xffff, v25  }
0xbc: {  	v20 =	vor.u32 v16, v20;
	v25 =	vand.u32 $0x1F, v41;
	v36 =	vand.u32 $0x1FF8, v36;
	v28 =	vld.idx.msk [tilespmem:v40+s18+$0x0], $0xffff;
	[tilespmem:v32+s22+$0x0] =	vst.idx.msk $0xffff, v26  }
0xbd: {  	v22 =	vor.u32 v22, v38;
	v26 =	vor.u32 v33, v38;
	v32 =	vadd.s32 v19, v36  }
0xbe: {  	v30 =	vor.u32 v30, v38;
	v23 =	vor.u32 v23, v38;
	v31 =	vor.u32 v31, v38  }
0xbf: {  	v33 =	vshll.u32 v39, $0x7;
	v36 =	vshll.u32 v21, $0x7;
	v37 =	vor.u32 v25, v38  }
0xc0: {  	v24 =	vshll.u32 v24, $0x7;
	v25 =	vshll.u32 v27, $0x7;
	v27 =	vshll.u32 v29, $0x7  }
0xc1: {  	v29 =	vshll.u32 v34, $0x7;
	v34 =	vshll.u32 v41, $0x7;
	v33 =	vand.u32 $0xF80, v33;
	v20 =	vld.idx.msk [tilespmem:v20+s18+$0x0], $0xffff  }
0xc2: {  	v25 =	vand.u32 $0xF80, v25;
	v21 =	vld.idx.msk [tilespmem:v26+s18+$0x0], $0xffff;
	v26 =	vand.u32 $0xF80, v36;
	v36 =	vand.u32 $0xF80, v24;
	[tilespmem:v32+s22+$0x0] =	vst.idx.msk $0xffff, v28  }
0xc3: {  	v27 =	vand.u32 $0xF80, v27;
	v28 =	vand.u32 $0xF80, v29;
	v29 =	vand.u32 $0xF80, v34;
	v24 =	vld.idx.msk [tilespmem:v22+s18+$0x0], $0xffff  }
.Ltmp1:
0xc4: {  	v32 =	vadd.s32 v35, v33;
	v26 =	vadd.s32 v35, v26;
	v22 =	vld.idx.msk [tilespmem:v30+s18+$0x0], $0xffff;
	v30 =	vadd.s32 v35, v25;
	(pc) =	sbr.rel @p1 .LBB2_5-.Ltmp1, $4  }
0xc5: {  	v27 =	vadd.s32 v35, v27;
	v33 =	vadd.s32 v35, v36;
	v34 =	vadd.s32 v35, v29;
	v23 =	vld.idx.msk [tilespmem:v23+s18+$0x0], $0xffff  }
0xc6: {  	v32 =	vand.u32 $0x1FF8, v32;
	v35 =	vadd.s32 v35, v28;
	v29 =	vand.u32 $0x1FF8, v26;
	v25 =	vld.idx.msk [tilespmem:v31+s18+$0x0], $0xffff  }
0xc7: {  	v28 =	vand.u32 $0x1FF8, v27;
	v30 =	vand.u32 $0x1FF8, v30;
	v31 =	vand.u32 $0x1FF8, v33;
	v26 =	vld.idx.msk [tilespmem:v37+s18+$0x0], $0xffff  }
0xc8: {  	v27 =	vadd.s32 v19, v32;
	v32 =	vand.u32 $0x1FF8, v34;
	v33 =	vand.u32 $0x1FF8, v35  }
0xc9: {  	v29 =	vadd.s32 v19, v29  }
0xca: {  	v33 =	vadd.s32 v19, v33  }
0xcb: {  	v30 =	vadd.s32 v19, v30  }
0xcc: {  	v31 =	vadd.s32 v19, v31  }
0xcd: {  	v28 =	vadd.s32 v19, v28;
	[tilespmem:v27+s22+$0x0] =	vst.idx.msk $0xffff, v21  }
0xce: {  	v63 =	vadd.s32 v19, v32;
	[tilespmem:v29+s22+$0x0] =	vst.idx.msk $0xffff, v24  }
0xcf: {  	[tilespmem:v33+s22+$0x0] =	vst.idx.msk $0xffff, v20  }
0xd0: {  	[tilespmem:v30+s22+$0x0] =	vst.idx.msk $0xffff, v22  }
0xd1: {  	s5 =	sshll.u32 s25, $0x10;
	[tilespmem:v31+s22+$0x0] =	vst.idx.msk $0xffff, v23  }
0xd2: {  	s5 =	sor.u32 s6, s5;
	[tilespmem:v28+s22+$0x0] =	vst.idx.msk $0xffff, v25  }
0xd3: {  	s14 =	sadd.s32 s2, s5;
	[tilespmem:v63+s22+$0x0] =	vst.idx.msk $0xffff, v26  }
0xd4: {  	[hbm4b:s14+s3] =	stream.linear.scatter [tilespmem:s22], [sflag:$0x3], $0x400, $0x38;
	[tilespmem:$0xE600] =	vst v63  }
0xd5: {  	s15 =	simm.s32 $0xAA00;
	s19 =	sadd.s32 s5, s7  }
0xd6: {  	[hbm4b:s19+s3] =	stream.linear.scatter [tilespmem:s15], [sflag:$0x3], $0x400, $0x38;
	[tilespmem:$0xE600] =	vst v63  }
0xd7: {  	s24 =	simm.s32 $0xAE00;
	s23 =	sadd.s32 s5, s8  }
0xd8: {  	[hbm4b:s23+s3] =	stream.linear.scatter [tilespmem:s24], [sflag:$0x3], $0x400, $0x38;
	[tilespmem:$0xE600] =	vst v63  }
0xd9: {  	s30 =	simm.s32 $0xB200;
	s29 =	sadd.s32 s5, s9  }
0xda: {  	[hbm4b:s29+s3] =	stream.linear.scatter [tilespmem:s30], [sflag:$0x3], $0x400, $0x38;
	[tilespmem:$0xE600] =	vst v63  }
0xdb: {  	s17 =	simm.s32 $0xB600;
	s16 =	sadd.s32 s5, s10  }
0xdc: {  	[hbm4b:s16+s3] =	stream.linear.scatter [tilespmem:s17], [sflag:$0x3], $0x400, $0x38;
	[tilespmem:$0xE600] =	vst v63  }
0xdd: {  	p1 =	sne.s32 s25, $0x31;
	s19 =	sadd.s32 s5, s11;
	s23 =	simm.s32 $0xBA00  }
0xde: {  	[hbm4b:s19+s3] =	stream.linear.scatter [tilespmem:s23], [sflag:$0x3], $0x400, $0x38;
	[tilespmem:$0xE600] =	vst v63  }
.Ltmp2:
0xdf: {  	_ = 	snop;
	(pc) =	sbr.rel @p1 .LBB2_8-.Ltmp2, $4  }
0xe0: {  	s24 =	sadd.s32 s5, s12;
	s29 =	simm.s32 $0xBE00  }
0xe1: {  	[hbm4b:s24+s3] =	stream.linear.scatter [tilespmem:s29], [sflag:$0x3], $0x400, $0x38;
	[tilespmem:$0xE600] =	vst v63  }
0xe2: {  	s5 =	sadd.s32 s5, s13;
	s30 =	simm.s32 $0xC200  }
0xe3: {  	[hbm4b:s5+s3] =	stream.linear.scatter [tilespmem:s30], [sflag:$0x3], $0x400, $0x38;
	[tilespmem:$0xE600] =	vst v63  }
.Ltmp3:
0xe4: {  	(pc) =	sbr.rel .LBB2_9-.Ltmp3, $4  }
0xe5: {  	_ = 	snop  }
0xe6: {  	_ =	swait.ge [sflag:s31], $0x2000  }
0xe7: {  	[sflag:s31] =	ssyncset.done $0x0  }
0xe8: {  	[sflag:s31] =	ssyncadd.s32 $0xFFFFE000  }
.LBB2_8:
0xe9: {  	s5 =	sshll.u32 s25, $0x2  }
0xea: {  	s14 =	sadd.s32 $0x4, s5  }
0xeb: {  	v20 =	vmov s14;
	v21 =	vadd.s32 s14, v1  }
0xec: {  	v21 =	vand.u32 $0x1FF8, v21;
	v20 =	vand.u32 $0x4, v20  }
0xed: {  	v21 =	vor.u32 v20, v21;
	_ =	sdelay $0x3  }
0xee: {  	v22 =	vadd.s32 s14, v2  }
0xef: {  	v22 =	vand.u32 $0x3FF8, v22;
	v21 =	vld.idx.msk [tilespmem:v21+s3+$0x0], $0xffff  }
0xf0: {  	v22 =	vor.u32 v20, v22;
	_ =	sdelay $0x3  }
0xf1: {  	v53 =	vadd.s32 s14, v3;
	[tilespmem:$0x6400] =	vst v21  }
0xf2: {  	v21 =	vand.u32 $0x7FF8, v53;
	v22 =	vld.idx.msk [tilespmem:v22+s3+$0x0], $0xffff  }
0xf3: {  	v21 =	vor.u32 v20, v21;
	_ =	sdelay $0x3  }
0xf4: {  	v54 =	vadd.s32 s14, v4;
	[tilespmem:$0x6410] =	vst v22  }
0xf5: {  	v22 =	vand.u32 $0x7FF8, v54;
	v21 =	vld.idx.msk [tilespmem:v21+s3+$0x0], $0xffff  }
0xf6: {  	v22 =	vor.u32 v20, v22;
	_ =	sdelay $0x3  }
0xf7: {  	v55 =	vadd.s32 s14, v5;
	[tilespmem:$0x6420] =	vst v21  }
0xf8: {  	v21 =	vand.u32 $0x7FF8, v55;
	v22 =	vld.idx.msk [tilespmem:v22+s3+$0x0], $0xffff  }
0xf9: {  	v21 =	vor.u32 v20, v21;
	_ =	sdelay $0x3  }
0xfa: {  	v56 =	vadd.s32 s14, v6;
	[tilespmem:$0x6430] =	vst v22  }
0xfb: {  	v22 =	vand.u32 $0xFFF8, v56;
	v21 =	vld.idx.msk [tilespmem:v21+s3+$0x0], $0xffff  }
0xfc: {  	v22 =	vor.u32 v20, v22;
	_ =	sdelay $0x3  }
0xfd: {  	v57 =	vadd.s32 s14, v7;
	[tilespmem:$0x6440] =	vst v21  }
0xfe: {  	v21 =	vand.u32 $0x7FF8, v57;
	v22 =	vld.idx.msk [tilespmem:v22+s3+$0x0], $0xffff  }
0xff: {  	v21 =	vor.u32 v20, v21;
	_ =	sdelay $0x3  }
0x100: {  	v58 =	vadd.s32 s14, v8;
	[tilespmem:$0x6450] =	vst v22  }
0x101: {  	v22 =	vand.u32 $0xFFF8, v58;
	v21 =	vld.idx.msk [tilespmem:v21+s3+$0x0], $0xffff  }
0x102: {  	v20 =	vor.u32 v20, v22;
	_ =	sdelay $0x2  }
0x103: {  	s5 =	sadd.s32 $0x5, s5  }
0x104: {  	v59 =	vmov s5;
	v60 =	vadd.s32 s5, v1;
	[tilespmem:$0x6460] =	vst v21  }
0x105: {  	v22 =	vand.u32 $0x1FF8, v60;
	v21 =	vand.u32 $0x5, v59;
	v20 =	vld.idx.msk [tilespmem:v20+s3+$0x0], $0xffff  }
0x106: {  	v22 =	vor.u32 v21, v22;
	_ =	sdelay $0x3  }
0x107: {  	[tilespmem:$0x6470] =	vst v20;
	v20 =	vadd.s32 s5, v2  }
0x108: {  	v22 =	vld.idx.msk [tilespmem:v22+s3+$0x0], $0xffff;
	v20 =	vand.u32 $0x3FF8, v20  }
0x109: {  	v20 =	vor.u32 v21, v20;
	_ =	sdelay $0x3  }
0x10a: {  	v61 =	vadd.s32 s5, v3;
	[tilespmem:$0x6480] =	vst v22  }
0x10b: {  	v22 =	vand.u32 $0x7FF8, v61;
	v20 =	vld.idx.msk [tilespmem:v20+s3+$0x0], $0xffff  }
0x10c: {  	v22 =	vor.u32 v21, v22;
	_ =	sdelay $0x3  }
0x10d: {  	[tilespmem:$0x6490] =	vst v20;
	v20 =	vadd.s32 s5, v4  }
0x10e: {  	v22 =	vld.idx.msk [tilespmem:v22+s3+$0x0], $0xffff;
	v20 =	vand.u32 $0x7FF8, v20  }
0x10f: {  	v20 =	vor.u32 v21, v20;
	_ =	sdelay $0x3  }
0x110: {  	v62 =	vadd.s32 s5, v5;
	[tilespmem:$0x64A0] =	vst v22  }
0x111: {  	v22 =	vand.u32 $0x7FF8, v62;
	v20 =	vld.idx.msk [tilespmem:v20+s3+$0x0], $0xffff  }
0x112: {  	v22 =	vor.u32 v21, v22;
	_ =	sdelay $0x3  }
0x113: {  	[tilespmem:$0x64B0] =	vst v20;
	v20 =	vadd.s32 s5, v6  }
0x114: {  	v22 =	vld.idx.msk [tilespmem:v22+s3+$0x0], $0xffff;
	v20 =	vand.u32 $0xFFF8, v20  }
0x115: {  	v20 =	vor.u32 v21, v20;
	_ =	sdelay $0x3  }
0x116: {  	v63 =	vadd.s32 s5, v7;
	[tilespmem:$0x64C0] =	vst v22  }
0x117: {  	v22 =	vand.u32 $0x7FF8, v63;
	v20 =	vld.idx.msk [tilespmem:v20+s3+$0x0], $0xffff  }
0x118: {  	v22 =	vor.u32 v21, v22;
	_ =	sdelay $0x3  }
0x119: {  	[tilespmem:$0x64D0] =	vst v20;
	v20 =	vadd.s32 s5, v8  }
0x11a: {  	v22 =	vld.idx.msk [tilespmem:v22+s3+$0x0], $0xffff;
	v20 =	vand.u32 $0xFFF8, v20  }
0x11b: {  	v20 =	vor.u32 v21, v20;
	_ =	sdelay $0x3  }
0x11c: {  	[tilespmem:$0x64E0] =	vst v22  }
0x11d: {  	v20 =	vld.idx.msk [tilespmem:v20+s3+$0x0], $0xffff;
	_ =	sdelay $0x4  }
.Ltmp4:
0x11e: {  	s29 =	simm.s32 $0x100;
	s30 =	simm.s32 $0x6400;
	[tilespmem:$0x64F0] =	vst v20;
	(pc) =	sbr.rel @p0 .LBB2_10-.Ltmp4, $4  }
0x11f: {  	[tilespmem:s18], [sflag:$0x1] =	stream.indirect.gather [hbm4b:s4+s29], $0x20, s30, s29, $0xb8;
	[tilespmem:$0xE600] =	vst v63  }
0x120: {  	_ =	swait.ge [sflag:s31], $0x2000  }
0x121: {  	[sflag:s31] =	ssyncset.done $0x0  }
0x122: {  	[sflag:s31] =	ssyncadd.s32 $0xFFFFE000  }
.LBB2_9:
0x123: {  	_ =	swait.ge [sflag:s1], $0x400  }
0x124: {  	[sflag:s1] =	ssyncset.done $0x0  }
0x125: {  	[sflag:s1] =	ssyncadd.s32 $0xFFFFFC00  }
0x126: {  	_ =	swait.ge [sflag:s1], $0x400  }
0x127: {  	[sflag:s1] =	ssyncset.done $0x0  }
0x128: {  	[sflag:s1] =	ssyncadd.s32 $0xFFFFFC00  }
0x129: {  	_ =	swait.ge [sflag:s1], $0x400  }
0x12a: {  	[sflag:s1] =	ssyncset.done $0x0  }
0x12b: {  	[sflag:s1] =	ssyncadd.s32 $0xFFFFFC00  }
0x12c: {  	_ =	swait.ge [sflag:s1], $0x400  }
0x12d: {  	[sflag:s1] =	ssyncset.done $0x0  }
0x12e: {  	[sflag:s1] =	ssyncadd.s32 $0xFFFFFC00  }
0x12f: {  	_ =	swait.ge [sflag:s1], $0x400  }
0x130: {  	[sflag:s1] =	ssyncset.done $0x0  }
0x131: {  	[sflag:s1] =	ssyncadd.s32 $0xFFFFFC00  }
0x132: {  	_ =	swait.ge [sflag:s1], $0x400  }
0x133: {  	[sflag:s1] =	ssyncset.done $0x0  }
0x134: {  	[sflag:s1] =	ssyncadd.s32 $0xFFFFFC00  }
0x135: {  	_ =	swait.ge [sflag:s1], $0x400  }
0x136: {  	[sflag:s1] =	ssyncset.done $0x0  }
0x137: {  	[sflag:s1] =	ssyncadd.s32 $0xFFFFFC00  }
0x138: {  	_ =	swait.ge [sflag:s1], $0x400  }
0x139: {  	[sflag:s1] =	ssyncset.done $0x0  }
0x13a: {  	[sflag:s1] =	ssyncadd.s32 $0xFFFFFC00  }
.LBB2_10:
0x13b: {  	s29 =	simm.s32 $0x0  }
0x13c: {  	s30 =	simm.s32 $0x0;
	s5 =	sand.u32 $0x70, s29  }
0x13d: {  	s14 =	sand.u32 $0x18, s30;
	v20 =	vor.u32 s5, v0  }
0x13e: {  	v21 =	vadd.s32 s14, v0;
	s15 =	sor.u32 $0x1, s14;
	v27 =	vshll.u32 v20, $0x5  }
0x13f: {  	s23 =	sor.u32 $0x3, s14;
	s16 =	sor.u32 $0x4, s14;
	s17 =	sor.u32 $0x6, s14;
	v22 =	vand.u32 $0x18, v21;
	v21 =	vshll.u32 v21, $0x7;
	v23 =	vadd.s32 s15, v0  }
0x140: {  	s19 =	sor.u32 $0x7, s14;
	s24 =	sor.u32 $0x2, s14;
	v29 =	vadd.s32 s23, v0;
	v30 =	vadd.s32 s16, v0;
	v32 =	vadd.s32 s17, v0  }
0x141: {  	v24 =	vadd.s32 s19, v0;
	v33 =	vadd.s32 s24, v0;
	v28 =	vshll.u32 v23, $0x7  }
0x142: {  	v22 =	vor.u32 v27, v22;
	v25 =	vor.u32 v20, v21;
	v31 =	vand.u32 $0x1F, v23  }
0x143: {  	v21 =	vand.u32 $0x1F, v29;
	v23 =	vand.u32 $0x1F, v30;
	v26 =	vand.u32 $0x1F, v33  }
0x144: {  	s14 =	sor.u32 $0x5, s14;
	v34 =	vand.u32 $0x1F, v32;
	v38 =	vand.u32 $0x1F, v24;
	v22 =	vor.u32 v16, v22  }
0x145: {  	v29 =	vshll.u32 v29, $0x7;
	v35 =	vor.u32 v21, v27;
	v21 =	vadd.s32 s14, v0  }
0x146: {  	v36 =	vor.u32 v23, v27;
	v26 =	vor.u32 v26, v27;
	v23 =	vand.u32 $0x1F, v21  }
0x147: {  	v28 =	vor.u32 v20, v28;
	v39 =	vor.u32 v20, v29;
	v37 =	vor.u32 v23, v27  }
0x148: {  	v29 =	vor.u32 v38, v27;
	v21 =	vshll.u32 v21, $0x7;
	v23 =	vor.u32 v34, v27  }
0x149: {  	v40 =	vor.u32 v20, v21;
	v34 =	vor.u32 v31, v27;
	v27 =	vshll.u32 v33, $0x7;
	v21 =	vld.idx.msk [tilespmem:v22+s20+$0x0], $0xffff  }
0x14a: {  	v33 =	vand.u32 v18, v39;
	v22 =	vand.u32 v18, v28;
	v31 =	vld.idx.msk [tilespmem:v35+s20+$0x0], $0xffff;
	v28 =	vshll.u32 v30, $0x7  }
0x14b: {  	v63 =	vshll.u32 v32, $0x7;
	v35 =	vor.u32 v20, v27;
	v27 =	vld.idx.msk [tilespmem:v36+s20+$0x0], $0xffff;
	v28 =	vor.u32 v20, v28  }
0x14c: {  	s14 =	simm.s32 $0x4;
	v32 =	vand.u32 v18, v40;
	v36 =	vor.u32 v20, v63;
	v30 =	vld.idx.msk [tilespmem:v37+s20+$0x0], $0xffff;
	v28 =	vand.u32 v18, v28  }
.LBB2_11:
0x14d: {  	s30 =	sadd.s32 $0x8, s30;
	s15 =	sand.u32 $0x70, s14;
	v37 =	vand.u32 v18, v25;
	v26 =	vld.idx.msk [tilespmem:v26+s20+$0x0], $0xffff;
	v36 =	vand.u32 v18, v36;
	v24 =	vshll.u32 v24, $0x7  }
0x14e: {  	v35 =	vand.u32 v18, v35;
	s16 =	sand.u32 $0x18, s30;
	p0 =	slt.u32 s30, $0xF8;
	v34 =	vld.idx.msk [tilespmem:v34+s20+$0x0], $0xffff;
	v24 =	vor.u32 v20, v24;
	v20 =	vor.u32 s15, v0  }
0x14f: {  	v25 =	vadd.s32 s16, v0;
	v38 =	vshll.u32 v20, $0x5;
	s15 =	sor.u32 $0x1, s16;
	s17 =	sor.u32 $0x6, s16;
	s19 =	sor.u32 $0x7, s16;
	[tilespmem:v33+s0+$0x0] =	vst.idx.msk $0xffff, v31;
	v29 =	vld.idx.msk [tilespmem:v29+s20+$0x0], $0xffff;
	v31 =	vand.u32 v18, v24  }
0x150: {  	s23 =	sor.u32 $0x4, s16;
	s24 =	sor.u32 $0x5, s16;
	v24 =	vand.u32 $0x18, v25;
	v25 =	vshll.u32 v25, $0x7;
	v33 =	vadd.s32 s15, v0;
	s15 =	sor.u32 $0x3, s16;
	v23 =	vld.idx.msk [tilespmem:v23+s20+$0x0], $0xffff  }
0x151: {  	s16 =	sor.u32 $0x2, s16;
	v41 =	vadd.s32 s23, v0;
	v39 =	vshll.u32 v33, $0x7;
	v40 =	vadd.s32 s15, v0;
	[tilespmem:v32+s0+$0x0] =	vst.idx.msk $0xffff, v30  }
0x152: {  	v30 =	vor.u32 v38, v24;
	v32 =	vadd.s32 s17, v0;
	v24 =	vadd.s32 s19, v0;
	[tilespmem:v28+s0+$0x0] =	vst.idx.msk $0xffff, v27  }
0x153: {  	v25 =	vor.u32 v20, v25;
	v27 =	vor.u32 v16, v30;
	v28 =	vand.u32 $0x1F, v33;
	[tilespmem:v37+s0+$0x0] =	vst.idx.msk $0xffff, v21  }
0x154: {  	v30 =	vadd.s32 s16, v0;
	v33 =	vand.u32 $0x1F, v41;
	v21 =	vand.u32 $0x1F, v40;
	[tilespmem:v22+s0+$0x0] =	vst.idx.msk $0xffff, v34  }
0x155: {  	v42 =	vor.u32 v33, v38;
	v37 =	vor.u32 v21, v38;
	v22 =	vadd.s32 s24, v0;
	[tilespmem:v31+s0+$0x0] =	vst.idx.msk $0xffff, v29  }
0x156: {  	v29 =	vand.u32 $0x1F, v30;
	v21 =	vand.u32 $0x1F, v22;
	v31 =	vand.u32 $0x1F, v32;
	[tilespmem:v36+s0+$0x0] =	vst.idx.msk $0xffff, v23  }
0x157: {  	v33 =	vand.u32 $0x1F, v24;
	v36 =	vor.u32 v21, v38;
	v23 =	vor.u32 v31, v38;
	[tilespmem:v35+s0+$0x0] =	vst.idx.msk $0xffff, v26  }
0x158: {  	v22 =	vshll.u32 v22, $0x7;
	v26 =	vor.u32 v29, v38;
	v21 =	vld.idx.msk [tilespmem:v27+s20+$0x0], $0xffff;
	v27 =	vshll.u32 v40, $0x7  }
.Ltmp5:
0x159: {  	v29 =	vor.u32 v20, v39;
	v39 =	vor.u32 v20, v22;
	v27 =	vor.u32 v20, v27;
	(pc) =	sbr.rel @p0 .LBB2_11-.Ltmp5, $4  }
0x15a: {  	v34 =	vor.u32 v28, v38;
	v22 =	vand.u32 v18, v29;
	v29 =	vor.u32 v33, v38;
	v31 =	vld.idx.msk [tilespmem:v37+s20+$0x0], $0xffff  }
0x15b: {  	v28 =	vshll.u32 v30, $0x7;
	v33 =	vand.u32 v18, v27;
	v27 =	vshll.u32 v41, $0x7  }
0x15c: {  	v35 =	vor.u32 v20, v28;
	v28 =	vor.u32 v20, v27;
	v30 =	vld.idx.msk [tilespmem:v36+s20+$0x0], $0xffff;
	v36 =	vshll.u32 v32, $0x7  }
0x15d: {  	s14 =	sadd.s32 $0x4, s14;
	v28 =	vand.u32 v18, v28;
	v32 =	vand.u32 v18, v39;
	v27 =	vld.idx.msk [tilespmem:v42+s20+$0x0], $0xffff;
	v36 =	vor.u32 v20, v36  }
0x15e: {  	v24 =	vshll.u32 v24, $0x7;
	s30 =	simm.s32 $0x0  }
0x15f: {  	v25 =	vand.u32 v18, v25;
	v36 =	vand.u32 v18, v36;
	s5 =	sor.u32 $0x80, s5;
	v20 =	vor.u32 v20, v24;
	s14 =	sand.u32 $0x18, s30  }
0x160: {  	v24 =	vand.u32 v18, v35;
	v37 =	vor.u32 s5, v0;
	v52 =	vadd.s32 s14, v0  }
0x161: {  	v20 =	vand.u32 v18, v20;
	s15 =	sor.u32 $0x7, s14;
	s16 =	sor.u32 $0x1, s14;
	s19 =	sor.u32 $0x2, s14;
	v40 =	vshll.u32 v37, $0x5;
	v38 =	vand.u32 $0x18, v52  }
0x162: {  	v34 =	vld.idx.msk [tilespmem:v34+s20+$0x0], $0xffff;
	s23 =	sor.u32 $0x3, s14;
	s24 =	sor.u32 $0x4, s14;
	s17 =	sor.u32 $0x5, s14;
	v39 =	vadd.s32 s15, v0;
	v41 =	vadd.s32 s16, v0;
	v43 =	vadd.s32 s19, v0  }
0x163: {  	[tilespmem:v33+s0+$0x0] =	vst.idx.msk $0xffff, v31;
	s14 =	sor.u32 $0x6, s14;
	v44 =	vadd.s32 s23, v0;
	v31 =	vadd.s32 s24, v0;
	v53 =	vadd.s32 s17, v0  }
0x164: {  	v23 =	vld.idx.msk [tilespmem:v23+s20+$0x0], $0xffff;
	v45 =	vadd.s32 s14, v0;
	[tilespmem:v32+s0+$0x0] =	vst.idx.msk $0xffff, v30;
	v42 =	vand.u32 $0x1F, v39;
	v30 =	vor.u32 v40, v38  }
0x165: {  	v54 =	vand.u32 $0x1F, v41;
	v55 =	vshll.u32 v39, $0x7;
	[tilespmem:v28+s0+$0x0] =	vst.idx.msk $0xffff, v27;
	v27 =	vand.u32 $0x1F, v43  }
0x166: {  	v26 =	vld.idx.msk [tilespmem:v26+s20+$0x0], $0xffff;
	v28 =	vand.u32 $0x1F, v44;
	v42 =	vor.u32 v42, v40;
	v38 =	vand.u32 $0xF80, v55;
	[tilespmem:v25+s0+$0x0] =	vst.idx.msk $0xffff, v21  }
0x167: {  	v29 =	vld.idx.msk [tilespmem:v29+s20+$0x0], $0xffff;
	v21 =	vand.u32 $0x1F, v31;
	v25 =	vand.u32 $0x1F, v53;
	[tilespmem:v22+s0+$0x0] =	vst.idx.msk $0xffff, v34;
	v22 =	vor.u32 v16, v30  }
0x168: {  	v30 =	vand.u32 $0x1F, v45;
	v32 =	vor.u32 v54, v40;
	v27 =	vor.u32 v27, v40  }
0x169: {  	v28 =	vor.u32 v28, v40;
	[tilespmem:v36+s0+$0x0] =	vst.idx.msk $0xffff, v23;
	v23 =	vshll.u32 v44, $0x7;
	v38 =	vadd.s32 v37, v38  }
0x16a: {  	v56 =	vor.u32 v21, v40;
	v25 =	vor.u32 v25, v40;
	v57 =	vor.u32 v30, v40  }
0x16b: {  	v21 =	vshll.u32 v43, $0x7;
	[tilespmem:v24+s0+$0x0] =	vst.idx.msk $0xffff, v26;
	v24 =	vshll.u32 v31, $0x7;
	v26 =	vshll.u32 v53, $0x7  }
0x16c: {  	v31 =	vshll.u32 v45, $0x7;
	v23 =	vand.u32 $0xF80, v23;
	[tilespmem:v20+s0+$0x0] =	vst.idx.msk $0xffff, v29;
	v20 =	vand.u32 $0x1FF8, v38  }
0x16d: {  	v29 =	vshll.u32 v52, $0x7;
	v58 =	vadd.s32 v19, v20;
	v20 =	vshll.u32 v41, $0x7;
	v59 =	vld.idx.msk [tilespmem:v42+s20+$0x0], $0xffff  }
0x16e: {  	v60 =	vand.u32 $0xF80, v24;
	v26 =	vand.u32 $0xF80, v26;
	v30 =	vand.u32 $0xF80, v20;
	v20 =	vld.idx.msk [tilespmem:v22+s20+$0x0], $0xffff  }
0x16f: {  	v31 =	vand.u32 $0xF80, v31;
	v61 =	vadd.s32 v37, v23;
	v22 =	vand.u32 $0xF80, v21;
	v21 =	vld.idx.msk [tilespmem:v32+s20+$0x0], $0xffff  }
0x170: {  	v29 =	vand.u32 $0xF80, v29;
	v26 =	vadd.s32 v37, v26;
	v62 =	vadd.s32 v37, v31;
	v24 =	vld.idx.msk [tilespmem:v27+s20+$0x0], $0xffff  }
0x171: {  	v63 =	vadd.s32 v37, v29;
	v27 =	vadd.s32 v37, v30;
	v30 =	vadd.s32 v37, v22;
	v22 =	vld.idx.msk [tilespmem:v28+s20+$0x0], $0xffff  }
0x172: {  	v33 =	vand.u32 $0x1FF8, v63;
	v32 =	vand.u32 $0x1FF8, v62;
	v28 =	vadd.s32 v37, v60;
	v23 =	vld.idx.msk [tilespmem:v56+s20+$0x0], $0xffff  }
0x173: {  	v27 =	vand.u32 $0x1FF8, v27;
	v25 =	vld.idx.msk [tilespmem:v25+s20+$0x0], $0xffff;
	v29 =	vand.u32 $0x1FF8, v30;
	v30 =	vand.u32 $0x1FF8, v61  }
0x174: {  	v31 =	vand.u32 $0x1FF8, v28;
	v28 =	vand.u32 $0x1FF8, v26;
	v26 =	vld.idx.msk [tilespmem:v57+s20+$0x0], $0xffff;
	v27 =	vadd.s32 v19, v27;
	[tilespmem:v58+s0+$0x0] =	vst.idx.msk $0xffff, v59  }
.LBB2_13:
0x175: {  	s30 =	sadd.s32 $0x8, s30;
	v29 =	vadd.s32 v19, v29;
	v30 =	vadd.s32 v19, v30;
	v31 =	vadd.s32 v19, v31;
	s29 =	sadd.s32 $0x4, s29  }
0x176: {  	v33 =	vadd.s32 v19, v33;
	v28 =	vadd.s32 v19, v28;
	v32 =	vadd.s32 v19, v32;
	s5 =	sand.u32 $0x18, s30;
	s14 =	sand.u32 $0x70, s29;
	p0 =	slt.u32 s30, $0xF8  }
0x177: {  	v34 =	vadd.s32 s5, v0;
	s14 =	sor.u32 $0x80, s14;
	s15 =	sor.u32 $0x1, s5;
	s16 =	sor.u32 $0x7, s5  }
0x178: {  	s17 =	sor.u32 $0x3, s5;
	s19 =	sor.u32 $0x4, s5;
	v35 =	vor.u32 s14, v0;
	v36 =	vand.u32 $0x18, v34;
	s14 =	sor.u32 $0x2, s5;
	v37 =	vadd.s32 s16, v0  }
0x179: {  	v39 =	vadd.s32 s15, v0;
	s15 =	sor.u32 $0x5, s5;
	s5 =	sor.u32 $0x6, s5;
	v38 =	vshll.u32 v35, $0x5;
	v40 =	vand.u32 $0x1F, v37;
	[tilespmem:v27+s0+$0x0] =	vst.idx.msk $0xffff, v21  }
0x17a: {  	v21 =	vadd.s32 s14, v0;
	v27 =	vadd.s32 s17, v0;
	v40 =	vor.u32 v40, v38;
	[tilespmem:v29+s0+$0x0] =	vst.idx.msk $0xffff, v24  }
0x17b: {  	v41 =	vadd.s32 s5, v0;
	v24 =	vadd.s32 s19, v0;
	v29 =	vadd.s32 s15, v0;
	[tilespmem:v33+s0+$0x0] =	vst.idx.msk $0xffff, v20  }
0x17c: {  	v20 =	vor.u32 v38, v36;
	v33 =	vand.u32 $0x1F, v39;
	v36 =	vshll.u32 v37, $0x7;
	[tilespmem:v30+s0+$0x0] =	vst.idx.msk $0xffff, v22  }
0x17d: {  	v22 =	vand.u32 $0x1F, v21;
	v30 =	vand.u32 $0x1F, v27;
	v36 =	vand.u32 $0xF80, v36;
	[tilespmem:v31+s0+$0x0] =	vst.idx.msk $0xffff, v23  }
0x17e: {  	v23 =	vand.u32 $0x1F, v24;
	v31 =	vand.u32 $0x1F, v29;
	v36 =	vadd.s32 v35, v36;
	[tilespmem:v28+s0+$0x0] =	vst.idx.msk $0xffff, v25  }
0x17f: {  	v20 =	vor.u32 v16, v20;
	v25 =	vand.u32 $0x1F, v41;
	v36 =	vand.u32 $0x1FF8, v36;
	v28 =	vld.idx.msk [tilespmem:v40+s20+$0x0], $0xffff;
	[tilespmem:v32+s0+$0x0] =	vst.idx.msk $0xffff, v26  }
0x180: {  	v22 =	vor.u32 v22, v38;
	v26 =	vor.u32 v33, v38;
	v32 =	vadd.s32 v19, v36  }
0x181: {  	v30 =	vor.u32 v30, v38;
	v23 =	vor.u32 v23, v38;
	v31 =	vor.u32 v31, v38  }
0x182: {  	v33 =	vshll.u32 v39, $0x7;
	v36 =	vshll.u32 v21, $0x7;
	v37 =	vor.u32 v25, v38  }
0x183: {  	v24 =	vshll.u32 v24, $0x7;
	v25 =	vshll.u32 v27, $0x7;
	v27 =	vshll.u32 v29, $0x7  }
0x184: {  	v29 =	vshll.u32 v34, $0x7;
	v34 =	vshll.u32 v41, $0x7;
	v33 =	vand.u32 $0xF80, v33;
	v20 =	vld.idx.msk [tilespmem:v20+s20+$0x0], $0xffff  }
0x185: {  	v25 =	vand.u32 $0xF80, v25;
	v21 =	vld.idx.msk [tilespmem:v26+s20+$0x0], $0xffff;
	v26 =	vand.u32 $0xF80, v36;
	v36 =	vand.u32 $0xF80, v24;
	[tilespmem:v32+s0+$0x0] =	vst.idx.msk $0xffff, v28  }
0x186: {  	v27 =	vand.u32 $0xF80, v27;
	v28 =	vand.u32 $0xF80, v29;
	v29 =	vand.u32 $0xF80, v34;
	v24 =	vld.idx.msk [tilespmem:v22+s20+$0x0], $0xffff  }
.Ltmp6:
0x187: {  	v32 =	vadd.s32 v35, v33;
	v26 =	vadd.s32 v35, v26;
	v22 =	vld.idx.msk [tilespmem:v30+s20+$0x0], $0xffff;
	v30 =	vadd.s32 v35, v25;
	(pc) =	sbr.rel @p0 .LBB2_13-.Ltmp6, $4  }
0x188: {  	v27 =	vadd.s32 v35, v27;
	v33 =	vadd.s32 v35, v36;
	v34 =	vadd.s32 v35, v29;
	v23 =	vld.idx.msk [tilespmem:v23+s20+$0x0], $0xffff  }
0x189: {  	v32 =	vand.u32 $0x1FF8, v32;
	v35 =	vadd.s32 v35, v28;
	v29 =	vand.u32 $0x1FF8, v26;
	v25 =	vld.idx.msk [tilespmem:v31+s20+$0x0], $0xffff  }
0x18a: {  	v28 =	vand.u32 $0x1FF8, v27;
	v30 =	vand.u32 $0x1FF8, v30;
	v31 =	vand.u32 $0x1FF8, v33;
	v26 =	vld.idx.msk [tilespmem:v37+s20+$0x0], $0xffff  }
0x18b: {  	v27 =	vadd.s32 v19, v32;
	v32 =	vand.u32 $0x1FF8, v34;
	v33 =	vand.u32 $0x1FF8, v35  }
0x18c: {  	v29 =	vadd.s32 v19, v29  }
0x18d: {  	v33 =	vadd.s32 v19, v33  }
0x18e: {  	v30 =	vadd.s32 v19, v30  }
0x18f: {  	v31 =	vadd.s32 v19, v31  }
0x190: {  	v28 =	vadd.s32 v19, v28;
	[tilespmem:v27+s0+$0x0] =	vst.idx.msk $0xffff, v21  }
0x191: {  	v63 =	vadd.s32 v19, v32;
	[tilespmem:v29+s0+$0x0] =	vst.idx.msk $0xffff, v24  }
0x192: {  	[tilespmem:v33+s0+$0x0] =	vst.idx.msk $0xffff, v20  }
0x193: {  	[tilespmem:v30+s0+$0x0] =	vst.idx.msk $0xffff, v22  }
0x194: {  	s5 =	sshll.u32 s26, $0xF;
	[tilespmem:v31+s0+$0x0] =	vst.idx.msk $0xffff, v23  }
0x195: {  	s5 =	sor.u32 s6, s5;
	[tilespmem:v28+s0+$0x0] =	vst.idx.msk $0xffff, v25  }
0x196: {  	s14 =	sadd.s32 s2, s5;
	[tilespmem:v63+s0+$0x0] =	vst.idx.msk $0xffff, v26  }
0x197: {  	[hbm4b:s14+s3] =	stream.linear.scatter [tilespmem:s0], [sflag:$0x4], $0x400, $0x38;
	[tilespmem:$0xE600] =	vst v63  }
0x198: {  	s15 =	simm.s32 $0xCA00;
	s26 =	sadd.s32 s5, s7  }
0x199: {  	[hbm4b:s26+s3] =	stream.linear.scatter [tilespmem:s15], [sflag:$0x4], $0x400, $0x38;
	[tilespmem:$0xE600] =	vst v63  }
0x19a: {  	s29 =	sshll.u32 s28, $0xE;
	s16 =	simm.s32 $0xCE00;
	s30 =	sadd.s32 s5, s8  }
0x19b: {  	[hbm4b:s30+s3] =	stream.linear.scatter [tilespmem:s16], [sflag:$0x4], $0x400, $0x38;
	[tilespmem:$0xE600] =	vst v63  }
0x19c: {  	s5 =	sadd.s32 s5, s9;
	s14 =	sor.u32 s6, s29;
	s16 =	simm.s32 $0xD200  }
0x19d: {  	[hbm4b:s5+s3] =	stream.linear.scatter [tilespmem:s16], [sflag:$0x4], $0x400, $0x38;
	[tilespmem:$0xE600] =	vst v63  }
0x19e: {  	s19 =	simm.s32 $0xD600;
	s25 =	sadd.s32 $0x1, s25;
	s17 =	sadd.s32 s2, s14  }
0x19f: {  	[hbm4b:s17+s3] =	stream.linear.scatter [tilespmem:s19], [sflag:$0x4], $0x400, $0x38;
	[tilespmem:$0xE600] =	vst v63  }
0x1a0: {  	s24 =	simm.s32 $0xDA00;
	p0 =	sne.s32 s25, $0x32;
	s23 =	sadd.s32 s14, s7  }
0x1a1: {  	[hbm4b:s23+s3] =	stream.linear.scatter [tilespmem:s24], [sflag:$0x4], $0x400, $0x38;
	[tilespmem:$0xE600] =	vst v63  }
.Ltmp7:
0x1a2: {  	_ = 	snop;
	(pc) =	sbr.rel @p0 .LBB2_2-.Ltmp7, $4  }
0x1a3: {  	s28 =	simm.s32 $0xDE00;
	s26 =	sadd.s32 s14, s8  }
0x1a4: {  	[hbm4b:s26+s3] =	stream.linear.scatter [tilespmem:s28], [sflag:$0x4], $0x400, $0x38;
	[tilespmem:$0xE600] =	vst v63  }
0x1a5: {  	s29 =	sadd.s32 s14, s9;
	s30 =	simm.s32 $0xE200  }
0x1a6: {  	[hbm4b:s29+s3] =	stream.linear.scatter [tilespmem:s30], [sflag:$0x4], $0x400, $0x38;
	[tilespmem:$0xE600] =	vst v63  }
0x1a7: {  	s5 =	simm.s32 $0x3  }
0x1a8: {  	_ =	swait.ge [sflag:s5], $0x400  }
0x1a9: {  	[sflag:s5] =	ssyncset.done $0x0  }
0x1aa: {  	[sflag:s5] =	ssyncadd.s32 $0xFFFFFC00  }
0x1ab: {  	_ =	swait.ge [sflag:s5], $0x400  }
0x1ac: {  	[sflag:s5] =	ssyncset.done $0x0  }
0x1ad: {  	[sflag:s5] =	ssyncadd.s32 $0xFFFFFC00  }
0x1ae: {  	_ =	swait.ge [sflag:s5], $0x400  }
0x1af: {  	[sflag:s5] =	ssyncset.done $0x0  }
0x1b0: {  	[sflag:s5] =	ssyncadd.s32 $0xFFFFFC00  }
0x1b1: {  	_ =	swait.ge [sflag:s5], $0x400  }
0x1b2: {  	[sflag:s5] =	ssyncset.done $0x0  }
0x1b3: {  	[sflag:s5] =	ssyncadd.s32 $0xFFFFFC00  }
0x1b4: {  	_ =	swait.ge [sflag:s5], $0x400  }
0x1b5: {  	[sflag:s5] =	ssyncset.done $0x0  }
0x1b6: {  	[sflag:s5] =	ssyncadd.s32 $0xFFFFFC00  }
0x1b7: {  	_ =	swait.ge [sflag:s5], $0x400  }
0x1b8: {  	[sflag:s5] =	ssyncset.done $0x0  }
0x1b9: {  	[sflag:s5] =	ssyncadd.s32 $0xFFFFFC00  }
0x1ba: {  	_ =	swait.ge [sflag:s5], $0x400  }
0x1bb: {  	[sflag:s5] =	ssyncset.done $0x0  }
0x1bc: {  	[sflag:s5] =	ssyncadd.s32 $0xFFFFFC00  }
0x1bd: {  	_ =	swait.ge [sflag:s5], $0x400  }
0x1be: {  	[sflag:s5] =	ssyncset.done $0x0  }
0x1bf: {  	[sflag:s5] =	ssyncadd.s32 $0xFFFFFC00  }
0x1c0: {  	_ =	swait.ge [sflag:s1], $0x400  }
0x1c1: {  	[sflag:s1] =	ssyncset.done $0x0  }
0x1c2: {  	[sflag:s1] =	ssyncadd.s32 $0xFFFFFC00  }
0x1c3: {  	_ =	swait.ge [sflag:s1], $0x400  }
0x1c4: {  	[sflag:s1] =	ssyncset.done $0x0  }
0x1c5: {  	[sflag:s1] =	ssyncadd.s32 $0xFFFFFC00  }
0x1c6: {  	_ =	swait.ge [sflag:s1], $0x400  }
0x1c7: {  	[sflag:s1] =	ssyncset.done $0x0  }
0x1c8: {  	[sflag:s1] =	ssyncadd.s32 $0xFFFFFC00  }
0x1c9: {  	_ =	swait.ge [sflag:s1], $0x400  }
0x1ca: {  	[sflag:s1] =	ssyncset.done $0x0  }
0x1cb: {  	[sflag:s1] =	ssyncadd.s32 $0xFFFFFC00  }
0x1cc: {  	_ =	swait.ge [sflag:s1], $0x400  }
0x1cd: {  	[sflag:s1] =	ssyncset.done $0x0  }
0x1ce: {  	[sflag:s1] =	ssyncadd.s32 $0xFFFFFC00  }
0x1cf: {  	_ =	swait.ge [sflag:s1], $0x400  }
0x1d0: {  	[sflag:s1] =	ssyncset.done $0x0  }
0x1d1: {  	[sflag:s1] =	ssyncadd.s32 $0xFFFFFC00  }
0x1d2: {  	_ =	swait.ge [sflag:s1], $0x400  }
0x1d3: {  	[sflag:s1] =	ssyncset.done $0x0  }
0x1d4: {  	[sflag:s1] =	ssyncadd.s32 $0xFFFFFC00  }
0x1d5: {  	_ =	swait.ge [sflag:s1], $0x400  }
0x1d6: {  	s14 =	rddreg [dreg:$0x5]  }
0x1d7: {  	s30 =	rddreg [dreg:$0x4];
	s14 =	sadd.s32 $0x1, s14  }
0x1d8: {  	p0 =	sne.s32 s14, s30  }
.Ltmp8:
0x1d9: {  	_ = 	snop;
	(pc) =	sbr.rel @p0 .LBB2_1-.Ltmp8, $3  }
0x1da: {  	_ =	sdelay $0x1  }
0x1db: {  	[sflag:s1] =	ssyncset.done $0x0  }
0x1dc: {  	[sflag:s1] =	ssyncadd.s32 $0xFFFFFC00  }
0x1dd: {  	_ =	sfence.sel $0x180000  }
0x1de: {  	[bflag:$0x0] =	sbarrier.arrive $0xFFFF  }
0x1df: {  	_ =	strace $0x90000047  }
0x1e0: {  	s0 =	stileid.u32;
	[bflag:$0x2] =	sbarrier.arrive $0xFFFF  }
0x1e1: {  	p0 =	sne.s32 s0, $0x0;
	s0 =	rddreg [dreg:$0x2]  }
0x1e2: {  	s0 =	sadd.s32 @!p0 $0x100000, s0  }
0x1e3: {  	[sflag:s0] =	ssyncadd.tile.s32 @!p0 $0x1;
	_ =	shalt  }
.Lfunc_end2:
_tile_overlayer_lowered:
.L_overlay_start_2:
0x1e4: {  	(tag) =	ssettag $0x2  }
0x1e5: {  	s0 =	rddreg [dreg:$0x0];
	s2 =	stileid.u32  }
0x1e6: {  	s1 =	rddreg [dreg:$0x1];
	p0 =	sne.s32 s2, $0x0  }
0x1e7: {  	s3 =	rddreg [dreg:$0x2];
	[bflag:$0x3] =	sbarrier.arrive $0xFFFF;
	s2 =	simm.s32 @!p0 $0x1C05  }
0x1e8: {  	[timem:s3], [sflag:s2] =	dma.local @!p0 [hbm:s0], s1  }
0x1e9: {  	s0 =	simm.s32 @!p0 $0x5  }
0x1ea: {  	_ =	swait.ge @!p0 [sflag:s0], s1  }
0x1eb: {  	s1 =	ssub.s32 @!p0 $0x0, s1;
	[sflag:s0] =	ssyncset.done @!p0 $0x0  }
0x1ec: {  	[sflag:s0] =	ssyncadd.s32 @!p0 s1  }
0x1ed: {  	[bflag:$0x3] =	sbarrier.arrive $0xFFFF  }
0x1ee: {  	_ =	shalt  }

</sc_bundles>
